<compile_context>
chip_gen: v7x
topology: tpu7x:2x2x1
jax: 0.10.2.dev20260603
libtpu: 0.0.44.dev20260713+nightly
codegen_flags: <defaults>
</compile_context>

<pallas_src>
import functools

import jax
import jax.numpy as jnp
from jax import lax
from jax.experimental import pallas as pl
from jax.experimental.pallas import tpu as pltpu
from jax.experimental.pallas import tpu_sc as plsc

_NUM_WORKERS = 32
_ROWS_PER_DMA = 128
_SUBS = 8
_CHUNK = _SUBS * _ROWS_PER_DMA


@functools.lru_cache(maxsize=None)
def _make_gather(n_total: int, dim: int):
    assert n_total % (_NUM_WORKERS * _CHUNK) == 0
    per_worker = n_total // _NUM_WORKERS
    nchunks = per_worker // _CHUNK
    nsteps = per_worker // _ROWS_PER_DMA

    mesh = plsc.VectorSubcoreMesh(core_axis_name="c", subcore_axis_name="s")

    @functools.partial(
        pl.kernel,
        mesh=mesh,
        out_type=jax.ShapeDtypeStruct((n_total, dim), jnp.float32),
        scratch_types=[
            pltpu.VMEM((nsteps, _ROWS_PER_DMA), jnp.int32),
            pltpu.VMEM((2, _CHUNK, dim), jnp.float32),
            pltpu.SemaphoreType.DMA,
        ],
        compiler_params=pltpu.CompilerParams(use_tc_tiling_on_sc=False),
    )
    def gather_kernel(idx_hbm, table_hbm, out_hbm, idx_v, rows_v, sem):
        wid = lax.axis_index("s") * 2 + lax.axis_index("c")
        base = wid * per_worker
        pltpu.sync_copy(idx_hbm.at[wid], idx_v)

        def fire(g, b):
            for j in range(_SUBS):
                pltpu.async_copy(
                    table_hbm.at[idx_v.at[g * _SUBS + j]],
                    rows_v.at[b, pl.ds(j * _ROWS_PER_DMA, _ROWS_PER_DMA)],
                    sem,
                )

        def drain_and_scatter(g, b):
            for j in range(_SUBS):
                pltpu.make_async_copy(
                    table_hbm.at[idx_v.at[g * _SUBS + j]],
                    rows_v.at[b, pl.ds(j * _ROWS_PER_DMA, _ROWS_PER_DMA)],
                    sem,
                ).wait()
            pltpu.sync_copy(
                rows_v.at[b], out_hbm.at[pl.ds(base + g * _CHUNK, _CHUNK)]
            )

        fire(0, 0)

        def body(g, carry):
            fire(g + 1, lax.rem(g + 1, 2))
            drain_and_scatter(g, lax.rem(g, 2))
            return carry

        lax.fori_loop(0, nchunks - 1, body, 0)
        drain_and_scatter(nchunks - 1, (nchunks - 1) % 2)

    return gather_kernel


_TR_BLK = 8192


@functools.lru_cache(maxsize=None)
def _make_transpose(v: int, dim: int):
    nblk = (v + _TR_BLK - 1) // _TR_BLK

    fold = 128 // dim

    def _sel(k):
        rows = lax.broadcasted_iota(jnp.int32, (dim, 128), 0)
        cols = lax.broadcasted_iota(jnp.int32, (dim, 128), 1)
        return (cols == k * dim + rows).astype(jnp.float32)

    def body(x_ref, o_ref):
        x3 = x_ref[...].T.reshape(_TR_BLK // fold, fold, dim)
        y = jnp.zeros((_TR_BLK // fold, 128), jnp.float32)
        for k in range(fold):
            y = y + jnp.dot(x3[:, k, :], _sel(k),
                            preferred_element_type=jnp.float32)
        o_ref[...] = y.reshape(-1)

    return pl.pallas_call(
        body,
        grid=(nblk,),
        in_specs=[pl.BlockSpec((dim, _TR_BLK), lambda i: (0, i))],
        out_specs=pl.BlockSpec((_TR_BLK * dim,), lambda i: (i,)),
        out_shape=jax.ShapeDtypeStruct((v * dim,), jnp.float32),
    )


def kernel(indices, table):
    ni, nj = indices.shape
    v, dim = table.shape
    table_rm = _make_transpose(v, dim)(table.T).reshape(v, dim)
    flat = indices.T.reshape(-1).astype(jnp.int32)
    n = flat.shape[0]
    group = _NUM_WORKERS * _CHUNK
    n_pad = ((n + group - 1) // group) * group
    if n_pad != n:
        flat = jnp.concatenate([flat, jnp.zeros((n_pad - n,), jnp.int32)])
    idx3 = flat.reshape(_NUM_WORKERS, -1, _ROWS_PER_DMA)
    out = _make_gather(n_pad, dim)(idx3, table_rm)
    if n_pad != n:
        out = out[:n]
    return out.reshape(nj, ni, dim).transpose(1, 0, 2)

# --- scband reference (transcript-rebuilt; emitter-appended) ---
"""Pipeline reference for scband-categorical-embedding-45543833207339 (READ-ONLY COPY).

The authoritative reference and input builder live on the scoring server;
editing this copy changes nothing except your own understanding.
"""

import jax, jax.numpy as jnp
import numpy as np

NUM_EMBEDDINGS = 1000000
EMBEDDING_DIM = 32

def _xavier_uniform(key, shape, dtype=jnp.float32):
    fan_in, fan_out = shape[1], shape[0]
    # torch xavier_uniform on nn.Embedding.weight: fan_in=dim1, fan_out=dim0
    a = float(np.sqrt(6.0 / (fan_in + fan_out)))
    return jax.random.uniform(key, shape, dtype=dtype, minval=-a, maxval=a)

def setup_inputs(seed: int = 0) -> dict:
    key = jax.random.key(seed)
    k_idx, k_w = jax.random.split(key)
    indices = jax.random.randint(k_idx, (16384, 26), 0, NUM_EMBEDDINGS, dtype=jnp.int64 if jax.config.read('jax_enable_x64') else jnp.int32)
    table = _xavier_uniform(k_w, (NUM_EMBEDDINGS, EMBEDDING_DIM))
    return {"indices": indices, "table": table}

def reference(indices, table):
    # CategoricalEmbedding.forward: embedding lookup (no padding_idx, no freeze)
    return jnp.take(table, indices, axis=0)

if __name__ == "__main__":
    import jax
    _d = setup_inputs()
    print(jax.jit(kernel)(*tuple(_d.values())))

</pallas_src>

<mosaic_0001>
#map = affine_map<(d0, d1) -> (0, 0, 0)>
#map1 = affine_map<(d0, d1) -> (0, 0)>
module attributes {stable_mosaic.version = 14 : i64} {
  func.func @gather_kernel(%arg0: i32, %arg1: i32, %arg2: memref<32x104x128xi32, #tpu.memory_space<hbm>>, %arg3: memref<1000000x32xf32, #tpu.memory_space<hbm>>, %arg4: memref<425984x32xf32, #tpu.memory_space<hbm>>, %arg5: memref<104x128xi32, #tpu.memory_space<vmem>>, %arg6: memref<2x1024x32xf32, #tpu.memory_space<vmem>>, %arg7: memref<!tpu.dma_semaphore, #tpu.memory_space<semaphore_mem>>) attributes {dimension_semantics = [#tpu.dimension_semantics<core_parallel>, #tpu.dimension_semantics<subcore_parallel>], iteration_bounds = array<i64: 2, 16>, scalar_prefetch = 0 : i64, scratch_operands = 3 : i64, tpu.core_type = #tpu.core_type<sc_vector_subcore>, window_params = [{transform_indices = #map}, {transform_indices = #map1}, {transform_indices = #map1}]} {
    %mul3A = arith.constant 2 : i32
    %mul3A_0 = arith.muli %arg1, %mul3A : i32
    %add3A = arith.addi %mul3A_0, %arg0 : i32
    %mul3A_1 = arith.constant 13312 : i32
    %mul3A_2 = arith.muli %add3A, %mul3A_1 : i32
    "tpu.region"() ({
      %run_scoped3A_200 = tpu.sem_alloc : memref<!tpu.dma_semaphore, #tpu.memory_space<semaphore_mem>>
      %dma_start3A_201 = arith.constant 0 : i32
      %dma_start3A_202 = arith.constant 0 : i32
      %dma_start3A_203 = tpu.memref_slice %arg2[%add3A, %dma_start3A_201, %dma_start3A_202] : memref<32x104x128xi32, #tpu.memory_space<hbm>> -> memref<1x104x128xi32, #tpu.memory_space<hbm>>
      %dma_start3A_204 = tpu.memref_squeeze %dma_start3A_203 : memref<1x104x128xi32, #tpu.memory_space<hbm>> -> memref<104x128xi32, #tpu.memory_space<hbm>>
      %dma_start3A_205 = arith.constant 0 : i32
      %dma_start3A_206 = arith.constant 0 : i32
      %dma_start3A_207 = tpu.memref_slice %arg2[%add3A, %dma_start3A_205, %dma_start3A_206] : memref<32x104x128xi32, #tpu.memory_space<hbm>> -> memref<1x104x128xi32, #tpu.memory_space<hbm>>
      %dma_start3A_208 = tpu.memref_squeeze %dma_start3A_207 : memref<1x104x128xi32, #tpu.memory_space<hbm>> -> memref<104x128xi32, #tpu.memory_space<hbm>>
      tpu.enqueue_dma source(%dma_start3A_208 : memref<104x128xi32, #tpu.memory_space<hbm>>) target(%arg5 : memref<104x128xi32, #tpu.memory_space<vmem>>) target_semaphore(%run_scoped3A_200 : memref<!tpu.dma_semaphore, #tpu.memory_space<semaphore_mem>>)
      %dma_wait3A_209 = arith.constant 0 : i32
      %dma_wait3A_210 = arith.constant 0 : i32
      %dma_wait3A_211 = tpu.memref_slice %arg2[%add3A, %dma_wait3A_209, %dma_wait3A_210] : memref<32x104x128xi32, #tpu.memory_space<hbm>> -> memref<1x104x128xi32, #tpu.memory_space<hbm>>
      %dma_wait3A_212 = tpu.memref_squeeze %dma_wait3A_211 : memref<1x104x128xi32, #tpu.memory_space<hbm>> -> memref<104x128xi32, #tpu.memory_space<hbm>>
      %dma_wait3A_213 = arith.constant 0 : i32
      %dma_wait3A_214 = arith.constant 0 : i32
      %dma_wait3A_215 = tpu.memref_slice %arg2[%add3A, %dma_wait3A_213, %dma_wait3A_214] : memref<32x104x128xi32, #tpu.memory_space<hbm>> -> memref<1x104x128xi32, #tpu.memory_space<hbm>>
      %dma_wait3A_216 = tpu.memref_squeeze %dma_wait3A_215 : memref<1x104x128xi32, #tpu.memory_space<hbm>> -> memref<104x128xi32, #tpu.memory_space<hbm>>
      tpu.wait_dma2 semaphore(%run_scoped3A_200 : memref<!tpu.dma_semaphore, #tpu.memory_space<semaphore_mem>>) src(%dma_wait3A_216 : memref<104x128xi32, #tpu.memory_space<hbm>>) dst(%arg5 : memref<104x128xi32, #tpu.memory_space<vmem>>)
      tpu.yield
    }) : () -> ()
    %dma_start3A = arith.constant 0 : i32
    %dma_start3A_3 = arith.constant 0 : i32
    %dma_start3A_4 = arith.constant 0 : i32
    %dma_start3A_5 = arith.constant 0 : i32
    %dma_start3A_6 = tpu.memref_slice %arg6[%dma_start3A_3, %dma_start3A_4, %dma_start3A_5] : memref<2x1024x32xf32, #tpu.memory_space<vmem>> -> memref<1x128x32xf32, #tpu.memory_space<vmem>>
    %dma_start3A_7 = tpu.memref_squeeze %dma_start3A_6 : memref<1x128x32xf32, #tpu.memory_space<vmem>> -> memref<128x32xf32, #tpu.memory_space<vmem>>
    %dma_start3A_8 = arith.constant 0 : i32
    %dma_start3A_9 = tpu.memref_slice %arg5[%dma_start3A, %dma_start3A_8] : memref<104x128xi32, #tpu.memory_space<vmem>> -> memref<1x128xi32, #tpu.memory_space<vmem>>
    %dma_start3A_10 = tpu.memref_squeeze %dma_start3A_9 : memref<1x128xi32, #tpu.memory_space<vmem>> -> memref<128xi32, #tpu.memory_space<vmem>>
    %dma_start3A_11 = arith.constant 0 : i32
    %dma_start3A_12 = arith.constant 0 : i32
    %dma_start3A_13 = tpu.memref_slice %arg3[%dma_start3A_11, %dma_start3A_12] : memref<1000000x32xf32, #tpu.memory_space<hbm>> -> memref<1000000x32xf32, #tpu.memory_space<hbm>>
    tpu.enqueue_indirect_dma source(%dma_start3A_13 : memref<1000000x32xf32, #tpu.memory_space<hbm>>) target(%dma_start3A_7 : memref<128x32xf32, #tpu.memory_space<vmem>>) offsets(%dma_start3A_10 : memref<128xi32, #tpu.memory_space<vmem>>) semaphore(%arg7 : memref<!tpu.dma_semaphore, #tpu.memory_space<semaphore_mem>>)
    %dma_start3A_14 = arith.constant 1 : i32
    %dma_start3A_15 = arith.constant 0 : i32
    %dma_start3A_16 = arith.constant 128 : i32
    %dma_start3A_17 = arith.constant 0 : i32
    %dma_start3A_18 = tpu.memref_slice %arg6[%dma_start3A_15, %dma_start3A_16, %dma_start3A_17] : memref<2x1024x32xf32, #tpu.memory_space<vmem>> -> memref<1x128x32xf32, #tpu.memory_space<vmem>>
    %dma_start3A_19 = tpu.memref_squeeze %dma_start3A_18 : memref<1x128x32xf32, #tpu.memory_space<vmem>> -> memref<128x32xf32, #tpu.memory_space<vmem>>
    %dma_start3A_20 = arith.constant 0 : i32
    %dma_start3A_21 = tpu.memref_slice %arg5[%dma_start3A_14, %dma_start3A_20] : memref<104x128xi32, #tpu.memory_space<vmem>> -> memref<1x128xi32, #tpu.memory_space<vmem>>
    %dma_start3A_22 = tpu.memref_squeeze %dma_start3A_21 : memref<1x128xi32, #tpu.memory_space<vmem>> -> memref<128xi32, #tpu.memory_space<vmem>>
    %dma_start3A_23 = arith.constant 0 : i32
    %dma_start3A_24 = arith.constant 0 : i32
    %dma_start3A_25 = tpu.memref_slice %arg3[%dma_start3A_23, %dma_start3A_24] : memref<1000000x32xf32, #tpu.memory_space<hbm>> -> memref<1000000x32xf32, #tpu.memory_space<hbm>>
    tpu.enqueue_indirect_dma source(%dma_start3A_25 : memref<1000000x32xf32, #tpu.memory_space<hbm>>) target(%dma_start3A_19 : memref<128x32xf32, #tpu.memory_space<vmem>>) offsets(%dma_start3A_22 : memref<128xi32, #tpu.memory_space<vmem>>) semaphore(%arg7 : memref<!tpu.dma_semaphore, #tpu.memory_space<semaphore_mem>>)
    %dma_start3A_26 = arith.constant 2 : i32
    %dma_start3A_27 = arith.constant 0 : i32
    %dma_start3A_28 = arith.constant 256 : i32
    %dma_start3A_29 = arith.constant 0 : i32
    %dma_start3A_30 = tpu.memref_slice %arg6[%dma_start3A_27, %dma_start3A_28, %dma_start3A_29] : memref<2x1024x32xf32, #tpu.memory_space<vmem>> -> memref<1x128x32xf32, #tpu.memory_space<vmem>>
    %dma_start3A_31 = tpu.memref_squeeze %dma_start3A_30 : memref<1x128x32xf32, #tpu.memory_space<vmem>> -> memref<128x32xf32, #tpu.memory_space<vmem>>
    %dma_start3A_32 = arith.constant 0 : i32
    %dma_start3A_33 = tpu.memref_slice %arg5[%dma_start3A_26, %dma_start3A_32] : memref<104x128xi32, #tpu.memory_space<vmem>> -> memref<1x128xi32, #tpu.memory_space<vmem>>
    %dma_start3A_34 = tpu.memref_squeeze %dma_start3A_33 : memref<1x128xi32, #tpu.memory_space<vmem>> -> memref<128xi32, #tpu.memory_space<vmem>>
    %dma_start3A_35 = arith.constant 0 : i32
    %dma_start3A_36 = arith.constant 0 : i32
    %dma_start3A_37 = tpu.memref_slice %arg3[%dma_start3A_35, %dma_start3A_36] : memref<1000000x32xf32, #tpu.memory_space<hbm>> -> memref<1000000x32xf32, #tpu.memory_space<hbm>>
    tpu.enqueue_indirect_dma source(%dma_start3A_37 : memref<1000000x32xf32, #tpu.memory_space<hbm>>) target(%dma_start3A_31 : memref<128x32xf32, #tpu.memory_space<vmem>>) offsets(%dma_start3A_34 : memref<128xi32, #tpu.memory_space<vmem>>) semaphore(%arg7 : memref<!tpu.dma_semaphore, #tpu.memory_space<semaphore_mem>>)
    %dma_start3A_38 = arith.constant 3 : i32
    %dma_start3A_39 = arith.constant 0 : i32
    %dma_start3A_40 = arith.constant 384 : i32
    %dma_start3A_41 = arith.constant 0 : i32
    %dma_start3A_42 = tpu.memref_slice %arg6[%dma_start3A_39, %dma_start3A_40, %dma_start3A_41] : memref<2x1024x32xf32, #tpu.memory_space<vmem>> -> memref<1x128x32xf32, #tpu.memory_space<vmem>>
    %dma_start3A_43 = tpu.memref_squeeze %dma_start3A_42 : memref<1x128x32xf32, #tpu.memory_space<vmem>> -> memref<128x32xf32, #tpu.memory_space<vmem>>
    %dma_start3A_44 = arith.constant 0 : i32
    %dma_start3A_45 = tpu.memref_slice %arg5[%dma_start3A_38, %dma_start3A_44] : memref<104x128xi32, #tpu.memory_space<vmem>> -> memref<1x128xi32, #tpu.memory_space<vmem>>
    %dma_start3A_46 = tpu.memref_squeeze %dma_start3A_45 : memref<1x128xi32, #tpu.memory_space<vmem>> -> memref<128xi32, #tpu.memory_space<vmem>>
    %dma_start3A_47 = arith.constant 0 : i32
    %dma_start3A_48 = arith.constant 0 : i32
    %dma_start3A_49 = tpu.memref_slice %arg3[%dma_start3A_47, %dma_start3A_48] : memref<1000000x32xf32, #tpu.memory_space<hbm>> -> memref<1000000x32xf32, #tpu.memory_space<hbm>>
    tpu.enqueue_indirect_dma source(%dma_start3A_49 : memref<1000000x32xf32, #tpu.memory_space<hbm>>) target(%dma_start3A_43 : memref<128x32xf32, #tpu.memory_space<vmem>>) offsets(%dma_start3A_46 : memref<128xi32, #tpu.memory_space<vmem>>) semaphore(%arg7 : memref<!tpu.dma_semaphore, #tpu.memory_space<semaphore_mem>>)
    %dma_start3A_50 = arith.constant 4 : i32
    %dma_start3A_51 = arith.constant 0 : i32
    %dma_start3A_52 = arith.constant 512 : i32
    %dma_start3A_53 = arith.constant 0 : i32
    %dma_start3A_54 = tpu.memref_slice %arg6[%dma_start3A_51, %dma_start3A_52, %dma_start3A_53] : memref<2x1024x32xf32, #tpu.memory_space<vmem>> -> memref<1x128x32xf32, #tpu.memory_space<vmem>>
    %dma_start3A_55 = tpu.memref_squeeze %dma_start3A_54 : memref<1x128x32xf32, #tpu.memory_space<vmem>> -> memref<128x32xf32, #tpu.memory_space<vmem>>
    %dma_start3A_56 = arith.constant 0 : i32
    %dma_start3A_57 = tpu.memref_slice %arg5[%dma_start3A_50, %dma_start3A_56] : memref<104x128xi32, #tpu.memory_space<vmem>> -> memref<1x128xi32, #tpu.memory_space<vmem>>
    %dma_start3A_58 = tpu.memref_squeeze %dma_start3A_57 : memref<1x128xi32, #tpu.memory_space<vmem>> -> memref<128xi32, #tpu.memory_space<vmem>>
    %dma_start3A_59 = arith.constant 0 : i32
    %dma_start3A_60 = arith.constant 0 : i32
    %dma_start3A_61 = tpu.memref_slice %arg3[%dma_start3A_59, %dma_start3A_60] : memref<1000000x32xf32, #tpu.memory_space<hbm>> -> memref<1000000x32xf32, #tpu.memory_space<hbm>>
    tpu.enqueue_indirect_dma source(%dma_start3A_61 : memref<1000000x32xf32, #tpu.memory_space<hbm>>) target(%dma_start3A_55 : memref<128x32xf32, #tpu.memory_space<vmem>>) offsets(%dma_start3A_58 : memref<128xi32, #tpu.memory_space<vmem>>) semaphore(%arg7 : memref<!tpu.dma_semaphore, #tpu.memory_space<semaphore_mem>>)
    %dma_start3A_62 = arith.constant 5 : i32
    %dma_start3A_63 = arith.constant 0 : i32
    %dma_start3A_64 = arith.constant 640 : i32
    %dma_start3A_65 = arith.constant 0 : i32
    %dma_start3A_66 = tpu.memref_slice %arg6[%dma_start3A_63, %dma_start3A_64, %dma_start3A_65] : memref<2x1024x32xf32, #tpu.memory_space<vmem>> -> memref<1x128x32xf32, #tpu.memory_space<vmem>>
    %dma_start3A_67 = tpu.memref_squeeze %dma_start3A_66 : memref<1x128x32xf32, #tpu.memory_space<vmem>> -> memref<128x32xf32, #tpu.memory_space<vmem>>
    %dma_start3A_68 = arith.constant 0 : i32
    %dma_start3A_69 = tpu.memref_slice %arg5[%dma_start3A_62, %dma_start3A_68] : memref<104x128xi32, #tpu.memory_space<vmem>> -> memref<1x128xi32, #tpu.memory_space<vmem>>
    %dma_start3A_70 = tpu.memref_squeeze %dma_start3A_69 : memref<1x128xi32, #tpu.memory_space<vmem>> -> memref<128xi32, #tpu.memory_space<vmem>>
    %dma_start3A_71 = arith.constant 0 : i32
    %dma_start3A_72 = arith.constant 0 : i32
    %dma_start3A_73 = tpu.memref_slice %arg3[%dma_start3A_71, %dma_start3A_72] : memref<1000000x32xf32, #tpu.memory_space<hbm>> -> memref<1000000x32xf32, #tpu.memory_space<hbm>>
    tpu.enqueue_indirect_dma source(%dma_start3A_73 : memref<1000000x32xf32, #tpu.memory_space<hbm>>) target(%dma_start3A_67 : memref<128x32xf32, #tpu.memory_space<vmem>>) offsets(%dma_start3A_70 : memref<128xi32, #tpu.memory_space<vmem>>) semaphore(%arg7 : memref<!tpu.dma_semaphore, #tpu.memory_space<semaphore_mem>>)
    %dma_start3A_74 = arith.constant 6 : i32
    %dma_start3A_75 = arith.constant 0 : i32
    %dma_start3A_76 = arith.constant 768 : i32
    %dma_start3A_77 = arith.constant 0 : i32
    %dma_start3A_78 = tpu.memref_slice %arg6[%dma_start3A_75, %dma_start3A_76, %dma_start3A_77] : memref<2x1024x32xf32, #tpu.memory_space<vmem>> -> memref<1x128x32xf32, #tpu.memory_space<vmem>>
    %dma_start3A_79 = tpu.memref_squeeze %dma_start3A_78 : memref<1x128x32xf32, #tpu.memory_space<vmem>> -> memref<128x32xf32, #tpu.memory_space<vmem>>
    %dma_start3A_80 = arith.constant 0 : i32
    %dma_start3A_81 = tpu.memref_slice %arg5[%dma_start3A_74, %dma_start3A_80] : memref<104x128xi32, #tpu.memory_space<vmem>> -> memref<1x128xi32, #tpu.memory_space<vmem>>
    %dma_start3A_82 = tpu.memref_squeeze %dma_start3A_81 : memref<1x128xi32, #tpu.memory_space<vmem>> -> memref<128xi32, #tpu.memory_space<vmem>>
    %dma_start3A_83 = arith.constant 0 : i32
    %dma_start3A_84 = arith.constant 0 : i32
    %dma_start3A_85 = tpu.memref_slice %arg3[%dma_start3A_83, %dma_start3A_84] : memref<1000000x32xf32, #tpu.memory_space<hbm>> -> memref<1000000x32xf32, #tpu.memory_space<hbm>>
    tpu.enqueue_indirect_dma source(%dma_start3A_85 : memref<1000000x32xf32, #tpu.memory_space<hbm>>) target(%dma_start3A_79 : memref<128x32xf32, #tpu.memory_space<vmem>>) offsets(%dma_start3A_82 : memref<128xi32, #tpu.memory_space<vmem>>) semaphore(%arg7 : memref<!tpu.dma_semaphore, #tpu.memory_space<semaphore_mem>>)
    %dma_start3A_86 = arith.constant 7 : i32
    %dma_start3A_87 = arith.constant 0 : i32
    %dma_start3A_88 = arith.constant 896 : i32
    %dma_start3A_89 = arith.constant 0 : i32
    %dma_start3A_90 = tpu.memref_slice %arg6[%dma_start3A_87, %dma_start3A_88, %dma_start3A_89] : memref<2x1024x32xf32, #tpu.memory_space<vmem>> -> memref<1x128x32xf32, #tpu.memory_space<vmem>>
    %dma_start3A_91 = tpu.memref_squeeze %dma_start3A_90 : memref<1x128x32xf32, #tpu.memory_space<vmem>> -> memref<128x32xf32, #tpu.memory_space<vmem>>
    %dma_start3A_92 = arith.constant 0 : i32
    %dma_start3A_93 = tpu.memref_slice %arg5[%dma_start3A_86, %dma_start3A_92] : memref<104x128xi32, #tpu.memory_space<vmem>> -> memref<1x128xi32, #tpu.memory_space<vmem>>
    %dma_start3A_94 = tpu.memref_squeeze %dma_start3A_93 : memref<1x128xi32, #tpu.memory_space<vmem>> -> memref<128xi32, #tpu.memory_space<vmem>>
    %dma_start3A_95 = arith.constant 0 : i32
    %dma_start3A_96 = arith.constant 0 : i32
    %dma_start3A_97 = tpu.memref_slice %arg3[%dma_start3A_95, %dma_start3A_96] : memref<1000000x32xf32, #tpu.memory_space<hbm>> -> memref<1000000x32xf32, #tpu.memory_space<hbm>>
    tpu.enqueue_indirect_dma source(%dma_start3A_97 : memref<1000000x32xf32, #tpu.memory_space<hbm>>) target(%dma_start3A_91 : memref<128x32xf32, #tpu.memory_space<vmem>>) offsets(%dma_start3A_94 : memref<128xi32, #tpu.memory_space<vmem>>) semaphore(%arg7 : memref<!tpu.dma_semaphore, #tpu.memory_space<semaphore_mem>>)
    %scan3A = arith.constant 0 : i32
    %scan3A_98 = arith.constant 0 : i32
    %scan3A_99 = arith.constant 12 : i32
    %scan3A_100 = arith.addi %scan3A_98, %scan3A_99 : i32
    %scan3A_101 = arith.constant 1 : i32
    scf.for %scan3A_200 = %scan3A_98 to %scan3A_100 step %scan3A_101  : i32 {
      %add3A_201 = arith.constant 1 : i32
      %add3A_202 = arith.addi %scan3A_200, %add3A_201 : i32
      %add3A_203 = arith.constant 1 : i32
      %add3A_204 = arith.addi %scan3A_200, %add3A_203 : i32
      %rem3A = arith.constant 2 : i32
      %rem3A_205 = arith.remsi %add3A_204, %rem3A : i32
      %mul3A_206 = arith.constant 8 : i32
      %mul3A_207 = arith.muli %add3A_202, %mul3A_206 : i32
      %add3A_208 = arith.constant 0 : i32
      %add3A_209 = arith.addi %mul3A_207, %add3A_208 : i32
      %dma_start3A_210 = arith.constant 0 : i32
      %dma_start3A_211 = arith.constant 0 : i32
      %dma_start3A_212 = tpu.memref_slice %arg6[%rem3A_205, %dma_start3A_210, %dma_start3A_211] : memref<2x1024x32xf32, #tpu.memory_space<vmem>> -> memref<1x128x32xf32, #tpu.memory_space<vmem>>
      %dma_start3A_213 = tpu.memref_squeeze %dma_start3A_212 : memref<1x128x32xf32, #tpu.memory_space<vmem>> -> memref<128x32xf32, #tpu.memory_space<vmem>>
      %dma_start3A_214 = arith.constant 0 : i32
      %dma_start3A_215 = tpu.memref_slice %arg5[%add3A_209, %dma_start3A_214] : memref<104x128xi32, #tpu.memory_space<vmem>> -> memref<1x128xi32, #tpu.memory_space<vmem>>
      %dma_start3A_216 = tpu.memref_squeeze %dma_start3A_215 : memref<1x128xi32, #tpu.memory_space<vmem>> -> memref<128xi32, #tpu.memory_space<vmem>>
      %dma_start3A_217 = arith.constant 0 : i32
      %dma_start3A_218 = arith.constant 0 : i32
      %dma_start3A_219 = tpu.memref_slice %arg3[%dma_start3A_217, %dma_start3A_218] : memref<1000000x32xf32, #tpu.memory_space<hbm>> -> memref<1000000x32xf32, #tpu.memory_space<hbm>>
      tpu.enqueue_indirect_dma source(%dma_start3A_219 : memref<1000000x32xf32, #tpu.memory_space<hbm>>) target(%dma_start3A_213 : memref<128x32xf32, #tpu.memory_space<vmem>>) offsets(%dma_start3A_216 : memref<128xi32, #tpu.memory_space<vmem>>) semaphore(%arg7 : memref<!tpu.dma_semaphore, #tpu.memory_space<semaphore_mem>>)
      %mul3A_220 = arith.constant 8 : i32
      %mul3A_221 = arith.muli %add3A_202, %mul3A_220 : i32
      %add3A_222 = arith.constant 1 : i32
      %add3A_223 = arith.addi %mul3A_221, %add3A_222 : i32
      %dma_start3A_224 = arith.constant 128 : i32
      %dma_start3A_225 = arith.constant 0 : i32
      %dma_start3A_226 = tpu.memref_slice %arg6[%rem3A_205, %dma_start3A_224, %dma_start3A_225] : memref<2x1024x32xf32, #tpu.memory_space<vmem>> -> memref<1x128x32xf32, #tpu.memory_space<vmem>>
      %dma_start3A_227 = tpu.memref_squeeze %dma_start3A_226 : memref<1x128x32xf32, #tpu.memory_space<vmem>> -> memref<128x32xf32, #tpu.memory_space<vmem>>
      %dma_start3A_228 = arith.constant 0 : i32
      %dma_start3A_229 = tpu.memref_slice %arg5[%add3A_223, %dma_start3A_228] : memref<104x128xi32, #tpu.memory_space<vmem>> -> memref<1x128xi32, #tpu.memory_space<vmem>>
      %dma_start3A_230 = tpu.memref_squeeze %dma_start3A_229 : memref<1x128xi32, #tpu.memory_space<vmem>> -> memref<128xi32, #tpu.memory_space<vmem>>
      %dma_start3A_231 = arith.constant 0 : i32
      %dma_start3A_232 = arith.constant 0 : i32
      %dma_start3A_233 = tpu.memref_slice %arg3[%dma_start3A_231, %dma_start3A_232] : memref<1000000x32xf32, #tpu.memory_space<hbm>> -> memref<1000000x32xf32, #tpu.memory_space<hbm>>
      tpu.enqueue_indirect_dma source(%dma_start3A_233 : memref<1000000x32xf32, #tpu.memory_space<hbm>>) target(%dma_start3A_227 : memref<128x32xf32, #tpu.memory_space<vmem>>) offsets(%dma_start3A_230 : memref<128xi32, #tpu.memory_space<vmem>>) semaphore(%arg7 : memref<!tpu.dma_semaphore, #tpu.memory_space<semaphore_mem>>)
      %mul3A_234 = arith.constant 8 : i32
      %mul3A_235 = arith.muli %add3A_202, %mul3A_234 : i32
      %add3A_236 = arith.constant 2 : i32
      %add3A_237 = arith.addi %mul3A_235, %add3A_236 : i32
      %dma_start3A_238 = arith.constant 256 : i32
      %dma_start3A_239 = arith.constant 0 : i32
      %dma_start3A_240 = tpu.memref_slice %arg6[%rem3A_205, %dma_start3A_238, %dma_start3A_239] : memref<2x1024x32xf32, #tpu.memory_space<vmem>> -> memref<1x128x32xf32, #tpu.memory_space<vmem>>
      %dma_start3A_241 = tpu.memref_squeeze %dma_start3A_240 : memref<1x128x32xf32, #tpu.memory_space<vmem>> -> memref<128x32xf32, #tpu.memory_space<vmem>>
      %dma_start3A_242 = arith.constant 0 : i32
      %dma_start3A_243 = tpu.memref_slice %arg5[%add3A_237, %dma_start3A_242] : memref<104x128xi32, #tpu.memory_space<vmem>> -> memref<1x128xi32, #tpu.memory_space<vmem>>
      %dma_start3A_244 = tpu.memref_squeeze %dma_start3A_243 : memref<1x128xi32, #tpu.memory_space<vmem>> -> memref<128xi32, #tpu.memory_space<vmem>>
      %dma_start3A_245 = arith.constant 0 : i32
      %dma_start3A_246 = arith.constant 0 : i32
      %dma_start3A_247 = tpu.memref_slice %arg3[%dma_start3A_245, %dma_start3A_246] : memref<1000000x32xf32, #tpu.memory_space<hbm>> -> memref<1000000x32xf32, #tpu.memory_space<hbm>>
      tpu.enqueue_indirect_dma source(%dma_start3A_247 : memref<1000000x32xf32, #tpu.memory_space<hbm>>) target(%dma_start3A_241 : memref<128x32xf32, #tpu.memory_space<vmem>>) offsets(%dma_start3A_244 : memref<128xi32, #tpu.memory_space<vmem>>) semaphore(%arg7 : memref<!tpu.dma_semaphore, #tpu.memory_space<semaphore_mem>>)
      %mul3A_248 = arith.constant 8 : i32
      %mul3A_249 = arith.muli %add3A_202, %mul3A_248 : i32
      %add3A_250 = arith.constant 3 : i32
      %add3A_251 = arith.addi %mul3A_249, %add3A_250 : i32
      %dma_start3A_252 = arith.constant 384 : i32
      %dma_start3A_253 = arith.constant 0 : i32
      %dma_start3A_254 = tpu.memref_slice %arg6[%rem3A_205, %dma_start3A_252, %dma_start3A_253] : memref<2x1024x32xf32, #tpu.memory_space<vmem>> -> memref<1x128x32xf32, #tpu.memory_space<vmem>>
      %dma_start3A_255 = tpu.memref_squeeze %dma_start3A_254 : memref<1x128x32xf32, #tpu.memory_space<vmem>> -> memref<128x32xf32, #tpu.memory_space<vmem>>
      %dma_start3A_256 = arith.constant 0 : i32
      %dma_start3A_257 = tpu.memref_slice %arg5[%add3A_251, %dma_start3A_256] : memref<104x128xi32, #tpu.memory_space<vmem>> -> memref<1x128xi32, #tpu.memory_space<vmem>>
      %dma_start3A_258 = tpu.memref_squeeze %dma_start3A_257 : memref<1x128xi32, #tpu.memory_space<vmem>> -> memref<128xi32, #tpu.memory_space<vmem>>
      %dma_start3A_259 = arith.constant 0 : i32
      %dma_start3A_260 = arith.constant 0 : i32
      %dma_start3A_261 = tpu.memref_slice %arg3[%dma_start3A_259, %dma_start3A_260] : memref<1000000x32xf32, #tpu.memory_space<hbm>> -> memref<1000000x32xf32, #tpu.memory_space<hbm>>
      tpu.enqueue_indirect_dma source(%dma_start3A_261 : memref<1000000x32xf32, #tpu.memory_space<hbm>>) target(%dma_start3A_255 : memref<128x32xf32, #tpu.memory_space<vmem>>) offsets(%dma_start3A_258 : memref<128xi32, #tpu.memory_space<vmem>>) semaphore(%arg7 : memref<!tpu.dma_semaphore, #tpu.memory_space<semaphore_mem>>)
      %mul3A_262 = arith.constant 8 : i32
      %mul3A_263 = arith.muli %add3A_202, %mul3A_262 : i32
      %add3A_264 = arith.constant 4 : i32
      %add3A_265 = arith.addi %mul3A_263, %add3A_264 : i32
      %dma_start3A_266 = arith.constant 512 : i32
      %dma_start3A_267 = arith.constant 0 : i32
      %dma_start3A_268 = tpu.memref_slice %arg6[%rem3A_205, %dma_start3A_266, %dma_start3A_267] : memref<2x1024x32xf32, #tpu.memory_space<vmem>> -> memref<1x128x32xf32, #tpu.memory_space<vmem>>
      %dma_start3A_269 = tpu.memref_squeeze %dma_start3A_268 : memref<1x128x32xf32, #tpu.memory_space<vmem>> -> memref<128x32xf32, #tpu.memory_space<vmem>>
      %dma_start3A_270 = arith.constant 0 : i32
      %dma_start3A_271 = tpu.memref_slice %arg5[%add3A_265, %dma_start3A_270] : memref<104x128xi32, #tpu.memory_space<vmem>> -> memref<1x128xi32, #tpu.memory_space<vmem>>
      %dma_start3A_272 = tpu.memref_squeeze %dma_start3A_271 : memref<1x128xi32, #tpu.memory_space<vmem>> -> memref<128xi32, #tpu.memory_space<vmem>>
      %dma_start3A_273 = arith.constant 0 : i32
      %dma_start3A_274 = arith.constant 0 : i32
      %dma_start3A_275 = tpu.memref_slice %arg3[%dma_start3A_273, %dma_start3A_274] : memref<1000000x32xf32, #tpu.memory_space<hbm>> -> memref<1000000x32xf32, #tpu.memory_space<hbm>>
      tpu.enqueue_indirect_dma source(%dma_start3A_275 : memref<1000000x32xf32, #tpu.memory_space<hbm>>) target(%dma_start3A_269 : memref<128x32xf32, #tpu.memory_space<vmem>>) offsets(%dma_start3A_272 : memref<128xi32, #tpu.memory_space<vmem>>) semaphore(%arg7 : memref<!tpu.dma_semaphore, #tpu.memory_space<semaphore_mem>>)
      %mul3A_276 = arith.constant 8 : i32
      %mul3A_277 = arith.muli %add3A_202, %mul3A_276 : i32
      %add3A_278 = arith.constant 5 : i32
      %add3A_279 = arith.addi %mul3A_277, %add3A_278 : i32
      %dma_start3A_280 = arith.constant 640 : i32
      %dma_start3A_281 = arith.constant 0 : i32
      %dma_start3A_282 = tpu.memref_slice %arg6[%rem3A_205, %dma_start3A_280, %dma_start3A_281] : memref<2x1024x32xf32, #tpu.memory_space<vmem>> -> memref<1x128x32xf32, #tpu.memory_space<vmem>>
      %dma_start3A_283 = tpu.memref_squeeze %dma_start3A_282 : memref<1x128x32xf32, #tpu.memory_space<vmem>> -> memref<128x32xf32, #tpu.memory_space<vmem>>
      %dma_start3A_284 = arith.constant 0 : i32
      %dma_start3A_285 = tpu.memref_slice %arg5[%add3A_279, %dma_start3A_284] : memref<104x128xi32, #tpu.memory_space<vmem>> -> memref<1x128xi32, #tpu.memory_space<vmem>>
      %dma_start3A_286 = tpu.memref_squeeze %dma_start3A_285 : memref<1x128xi32, #tpu.memory_space<vmem>> -> memref<128xi32, #tpu.memory_space<vmem>>
      %dma_start3A_287 = arith.constant 0 : i32
      %dma_start3A_288 = arith.constant 0 : i32
      %dma_start3A_289 = tpu.memref_slice %arg3[%dma_start3A_287, %dma_start3A_288] : memref<1000000x32xf32, #tpu.memory_space<hbm>> -> memref<1000000x32xf32, #tpu.memory_space<hbm>>
      tpu.enqueue_indirect_dma source(%dma_start3A_289 : memref<1000000x32xf32, #tpu.memory_space<hbm>>) target(%dma_start3A_283 : memref<128x32xf32, #tpu.memory_space<vmem>>) offsets(%dma_start3A_286 : memref<128xi32, #tpu.memory_space<vmem>>) semaphore(%arg7 : memref<!tpu.dma_semaphore, #tpu.memory_space<semaphore_mem>>)
      %mul3A_290 = arith.constant 8 : i32
      %mul3A_291 = arith.muli %add3A_202, %mul3A_290 : i32
      %add3A_292 = arith.constant 6 : i32
      %add3A_293 = arith.addi %mul3A_291, %add3A_292 : i32
      %dma_start3A_294 = arith.constant 768 : i32
      %dma_start3A_295 = arith.constant 0 : i32
      %dma_start3A_296 = tpu.memref_slice %arg6[%rem3A_205, %dma_start3A_294, %dma_start3A_295] : memref<2x1024x32xf32, #tpu.memory_space<vmem>> -> memref<1x128x32xf32, #tpu.memory_space<vmem>>
      %dma_start3A_297 = tpu.memref_squeeze %dma_start3A_296 : memref<1x128x32xf32, #tpu.memory_space<vmem>> -> memref<128x32xf32, #tpu.memory_space<vmem>>
      %dma_start3A_298 = arith.constant 0 : i32
      %dma_start3A_299 = tpu.memref_slice %arg5[%add3A_293, %dma_start3A_298] : memref<104x128xi32, #tpu.memory_space<vmem>> -> memref<1x128xi32, #tpu.memory_space<vmem>>
      %dma_start3A_300 = tpu.memref_squeeze %dma_start3A_299 : memref<1x128xi32, #tpu.memory_space<vmem>> -> memref<128xi32, #tpu.memory_space<vmem>>
      %dma_start3A_301 = arith.constant 0 : i32
      %dma_start3A_302 = arith.constant 0 : i32
      %dma_start3A_303 = tpu.memref_slice %arg3[%dma_start3A_301, %dma_start3A_302] : memref<1000000x32xf32, #tpu.memory_space<hbm>> -> memref<1000000x32xf32, #tpu.memory_space<hbm>>
      tpu.enqueue_indirect_dma source(%dma_start3A_303 : memref<1000000x32xf32, #tpu.memory_space<hbm>>) target(%dma_start3A_297 : memref<128x32xf32, #tpu.memory_space<vmem>>) offsets(%dma_start3A_300 : memref<128xi32, #tpu.memory_space<vmem>>) semaphore(%arg7 : memref<!tpu.dma_semaphore, #tpu.memory_space<semaphore_mem>>)
      %mul3A_304 = arith.constant 8 : i32
      %mul3A_305 = arith.muli %add3A_202, %mul3A_304 : i32
      %add3A_306 = arith.constant 7 : i32
      %add3A_307 = arith.addi %mul3A_305, %add3A_306 : i32
      %dma_start3A_308 = arith.constant 896 : i32
      %dma_start3A_309 = arith.constant 0 : i32
      %dma_start3A_310 = tpu.memref_slice %arg6[%rem3A_205, %dma_start3A_308, %dma_start3A_309] : memref<2x1024x32xf32, #tpu.memory_space<vmem>> -> memref<1x128x32xf32, #tpu.memory_space<vmem>>
      %dma_start3A_311 = tpu.memref_squeeze %dma_start3A_310 : memref<1x128x32xf32, #tpu.memory_space<vmem>> -> memref<128x32xf32, #tpu.memory_space<vmem>>
      %dma_start3A_312 = arith.constant 0 : i32
      %dma_start3A_313 = tpu.memref_slice %arg5[%add3A_307, %dma_start3A_312] : memref<104x128xi32, #tpu.memory_space<vmem>> -> memref<1x128xi32, #tpu.memory_space<vmem>>
      %dma_start3A_314 = tpu.memref_squeeze %dma_start3A_313 : memref<1x128xi32, #tpu.memory_space<vmem>> -> memref<128xi32, #tpu.memory_space<vmem>>
      %dma_start3A_315 = arith.constant 0 : i32
      %dma_start3A_316 = arith.constant 0 : i32
      %dma_start3A_317 = tpu.memref_slice %arg3[%dma_start3A_315, %dma_start3A_316] : memref<1000000x32xf32, #tpu.memory_space<hbm>> -> memref<1000000x32xf32, #tpu.memory_space<hbm>>
      tpu.enqueue_indirect_dma source(%dma_start3A_317 : memref<1000000x32xf32, #tpu.memory_space<hbm>>) target(%dma_start3A_311 : memref<128x32xf32, #tpu.memory_space<vmem>>) offsets(%dma_start3A_314 : memref<128xi32, #tpu.memory_space<vmem>>) semaphore(%arg7 : memref<!tpu.dma_semaphore, #tpu.memory_space<semaphore_mem>>)
      %rem3A_318 = arith.constant 2 : i32
      %rem3A_319 = arith.remsi %scan3A_200, %rem3A_318 : i32
      %mul3A_320 = arith.constant 8 : i32
      %mul3A_321 = arith.muli %scan3A_200, %mul3A_320 : i32
      %add3A_322 = arith.constant 0 : i32
      %add3A_323 = arith.addi %mul3A_321, %add3A_322 : i32
      %dma_wait3A_324 = arith.constant 0 : i32
      %dma_wait3A_325 = arith.constant 0 : i32
      %dma_wait3A_326 = tpu.memref_slice %arg6[%rem3A_319, %dma_wait3A_324, %dma_wait3A_325] : memref<2x1024x32xf32, #tpu.memory_space<vmem>> -> memref<1x128x32xf32, #tpu.memory_space<vmem>>
      %dma_wait3A_327 = tpu.memref_squeeze %dma_wait3A_326 : memref<1x128x32xf32, #tpu.memory_space<vmem>> -> memref<128x32xf32, #tpu.memory_space<vmem>>
      %dma_wait3A_328 = arith.constant 0 : i32
      %dma_wait3A_329 = tpu.memref_slice %arg5[%add3A_323, %dma_wait3A_328] : memref<104x128xi32, #tpu.memory_space<vmem>> -> memref<1x128xi32, #tpu.memory_space<vmem>>
      %dma_wait3A_330 = tpu.memref_squeeze %dma_wait3A_329 : memref<1x128xi32, #tpu.memory_space<vmem>> -> memref<128xi32, #tpu.memory_space<vmem>>
      %dma_wait3A_331 = arith.constant 0 : i32
      %dma_wait3A_332 = arith.constant 0 : i32
      %dma_wait3A_333 = tpu.memref_slice %arg3[%dma_wait3A_331, %dma_wait3A_332] : memref<1000000x32xf32, #tpu.memory_space<hbm>> -> memref<1000000x32xf32, #tpu.memory_space<hbm>>
      tpu.wait_indirect_dma semaphore(%arg7 : memref<!tpu.dma_semaphore, #tpu.memory_space<semaphore_mem>>) src(%dma_wait3A_333 : memref<1000000x32xf32, #tpu.memory_space<hbm>>) dst(%dma_wait3A_327 : memref<128x32xf32, #tpu.memory_space<vmem>>)
      %mul3A_334 = arith.constant 8 : i32
      %mul3A_335 = arith.muli %scan3A_200, %mul3A_334 : i32
      %add3A_336 = arith.constant 1 : i32
      %add3A_337 = arith.addi %mul3A_335, %add3A_336 : i32
      %dma_wait3A_338 = arith.constant 128 : i32
      %dma_wait3A_339 = arith.constant 0 : i32
      %dma_wait3A_340 = tpu.memref_slice %arg6[%rem3A_319, %dma_wait3A_338, %dma_wait3A_339] : memref<2x1024x32xf32, #tpu.memory_space<vmem>> -> memref<1x128x32xf32, #tpu.memory_space<vmem>>
      %dma_wait3A_341 = tpu.memref_squeeze %dma_wait3A_340 : memref<1x128x32xf32, #tpu.memory_space<vmem>> -> memref<128x32xf32, #tpu.memory_space<vmem>>
      %dma_wait3A_342 = arith.constant 0 : i32
      %dma_wait3A_343 = tpu.memref_slice %arg5[%add3A_337, %dma_wait3A_342] : memref<104x128xi32, #tpu.memory_space<vmem>> -> memref<1x128xi32, #tpu.memory_space<vmem>>
      %dma_wait3A_344 = tpu.memref_squeeze %dma_wait3A_343 : memref<1x128xi32, #tpu.memory_space<vmem>> -> memref<128xi32, #tpu.memory_space<vmem>>
      %dma_wait3A_345 = arith.constant 0 : i32
      %dma_wait3A_346 = arith.constant 0 : i32
      %dma_wait3A_347 = tpu.memref_slice %arg3[%dma_wait3A_345, %dma_wait3A_346] : memref<1000000x32xf32, #tpu.memory_space<hbm>> -> memref<1000000x32xf32, #tpu.memory_space<hbm>>
      tpu.wait_indirect_dma semaphore(%arg7 : memref<!tpu.dma_semaphore, #tpu.memory_space<semaphore_mem>>) src(%dma_wait3A_347 : memref<1000000x32xf32, #tpu.memory_space<hbm>>) dst(%dma_wait3A_341 : memref<128x32xf32, #tpu.memory_space<vmem>>)
      %mul3A_348 = arith.constant 8 : i32
      %mul3A_349 = arith.muli %scan3A_200, %mul3A_348 : i32
      %add3A_350 = arith.constant 2 : i32
      %add3A_351 = arith.addi %mul3A_349, %add3A_350 : i32
      %dma_wait3A_352 = arith.constant 256 : i32
      %dma_wait3A_353 = arith.constant 0 : i32
      %dma_wait3A_354 = tpu.memref_slice %arg6[%rem3A_319, %dma_wait3A_352, %dma_wait3A_353] : memref<2x1024x32xf32, #tpu.memory_space<vmem>> -> memref<1x128x32xf32, #tpu.memory_space<vmem>>
      %dma_wait3A_355 = tpu.memref_squeeze %dma_wait3A_354 : memref<1x128x32xf32, #tpu.memory_space<vmem>> -> memref<128x32xf32, #tpu.memory_space<vmem>>
      %dma_wait3A_356 = arith.constant 0 : i32
      %dma_wait3A_357 = tpu.memref_slice %arg5[%add3A_351, %dma_wait3A_356] : memref<104x128xi32, #tpu.memory_space<vmem>> -> memref<1x128xi32, #tpu.memory_space<vmem>>
      %dma_wait3A_358 = tpu.memref_squeeze %dma_wait3A_357 : memref<1x128xi32, #tpu.memory_space<vmem>> -> memref<128xi32, #tpu.memory_space<vmem>>
      %dma_wait3A_359 = arith.constant 0 : i32
      %dma_wait3A_360 = arith.constant 0 : i32
      %dma_wait3A_361 = tpu.memref_slice %arg3[%dma_wait3A_359, %dma_wait3A_360] : memref<1000000x32xf32, #tpu.memory_space<hbm>> -> memref<1000000x32xf32, #tpu.memory_space<hbm>>
      tpu.wait_indirect_dma semaphore(%arg7 : memref<!tpu.dma_semaphore, #tpu.memory_space<semaphore_mem>>) src(%dma_wait3A_361 : memref<1000000x32xf32, #tpu.memory_space<hbm>>) dst(%dma_wait3A_355 : memref<128x32xf32, #tpu.memory_space<vmem>>)
      %mul3A_362 = arith.constant 8 : i32
      %mul3A_363 = arith.muli %scan3A_200, %mul3A_362 : i32
      %add3A_364 = arith.constant 3 : i32
      %add3A_365 = arith.addi %mul3A_363, %add3A_364 : i32
      %dma_wait3A_366 = arith.constant 384 : i32
      %dma_wait3A_367 = arith.constant 0 : i32
      %dma_wait3A_368 = tpu.memref_slice %arg6[%rem3A_319, %dma_wait3A_366, %dma_wait3A_367] : memref<2x1024x32xf32, #tpu.memory_space<vmem>> -> memref<1x128x32xf32, #tpu.memory_space<vmem>>
      %dma_wait3A_369 = tpu.memref_squeeze %dma_wait3A_368 : memref<1x128x32xf32, #tpu.memory_space<vmem>> -> memref<128x32xf32, #tpu.memory_space<vmem>>
      %dma_wait3A_370 = arith.constant 0 : i32
      %dma_wait3A_371 = tpu.memref_slice %arg5[%add3A_365, %dma_wait3A_370] : memref<104x128xi32, #tpu.memory_space<vmem>> -> memref<1x128xi32, #tpu.memory_space<vmem>>
      %dma_wait3A_372 = tpu.memref_squeeze %dma_wait3A_371 : memref<1x128xi32, #tpu.memory_space<vmem>> -> memref<128xi32, #tpu.memory_space<vmem>>
      %dma_wait3A_373 = arith.constant 0 : i32
      %dma_wait3A_374 = arith.constant 0 : i32
      %dma_wait3A_375 = tpu.memref_slice %arg3[%dma_wait3A_373, %dma_wait3A_374] : memref<1000000x32xf32, #tpu.memory_space<hbm>> -> memref<1000000x32xf32, #tpu.memory_space<hbm>>
      tpu.wait_indirect_dma semaphore(%arg7 : memref<!tpu.dma_semaphore, #tpu.memory_space<semaphore_mem>>) src(%dma_wait3A_375 : memref<1000000x32xf32, #tpu.memory_space<hbm>>) dst(%dma_wait3A_369 : memref<128x32xf32, #tpu.memory_space<vmem>>)
      %mul3A_376 = arith.constant 8 : i32
      %mul3A_377 = arith.muli %scan3A_200, %mul3A_376 : i32
      %add3A_378 = arith.constant 4 : i32
      %add3A_379 = arith.addi %mul3A_377, %add3A_378 : i32
      %dma_wait3A_380 = arith.constant 512 : i32
      %dma_wait3A_381 = arith.constant 0 : i32
      %dma_wait3A_382 = tpu.memref_slice %arg6[%rem3A_319, %dma_wait3A_380, %dma_wait3A_381] : memref<2x1024x32xf32, #tpu.memory_space<vmem>> -> memref<1x128x32xf32, #tpu.memory_space<vmem>>
      %dma_wait3A_383 = tpu.memref_squeeze %dma_wait3A_382 : memref<1x128x32xf32, #tpu.memory_space<vmem>> -> memref<128x32xf32, #tpu.memory_space<vmem>>
      %dma_wait3A_384 = arith.constant 0 : i32
      %dma_wait3A_385 = tpu.memref_slice %arg5[%add3A_379, %dma_wait3A_384] : memref<104x128xi32, #tpu.memory_space<vmem>> -> memref<1x128xi32, #tpu.memory_space<vmem>>
      %dma_wait3A_386 = tpu.memref_squeeze %dma_wait3A_385 : memref<1x128xi32, #tpu.memory_space<vmem>> -> memref<128xi32, #tpu.memory_space<vmem>>
      %dma_wait3A_387 = arith.constant 0 : i32
      %dma_wait3A_388 = arith.constant 0 : i32
      %dma_wait3A_389 = tpu.memref_slice %arg3[%dma_wait3A_387, %dma_wait3A_388] : memref<1000000x32xf32, #tpu.memory_space<hbm>> -> memref<1000000x32xf32, #tpu.memory_space<hbm>>
      tpu.wait_indirect_dma semaphore(%arg7 : memref<!tpu.dma_semaphore, #tpu.memory_space<semaphore_mem>>) src(%dma_wait3A_389 : memref<1000000x32xf32, #tpu.memory_space<hbm>>) dst(%dma_wait3A_383 : memref<128x32xf32, #tpu.memory_space<vmem>>)
      %mul3A_390 = arith.constant 8 : i32
      %mul3A_391 = arith.muli %scan3A_200, %mul3A_390 : i32
      %add3A_392 = arith.constant 5 : i32
      %add3A_393 = arith.addi %mul3A_391, %add3A_392 : i32
      %dma_wait3A_394 = arith.constant 640 : i32
      %dma_wait3A_395 = arith.constant 0 : i32
      %dma_wait3A_396 = tpu.memref_slice %arg6[%rem3A_319, %dma_wait3A_394, %dma_wait3A_395] : memref<2x1024x32xf32, #tpu.memory_space<vmem>> -> memref<1x128x32xf32, #tpu.memory_space<vmem>>
      %dma_wait3A_397 = tpu.memref_squeeze %dma_wait3A_396 : memref<1x128x32xf32, #tpu.memory_space<vmem>> -> memref<128x32xf32, #tpu.memory_space<vmem>>
      %dma_wait3A_398 = arith.constant 0 : i32
      %dma_wait3A_399 = tpu.memref_slice %arg5[%add3A_393, %dma_wait3A_398] : memref<104x128xi32, #tpu.memory_space<vmem>> -> memref<1x128xi32, #tpu.memory_space<vmem>>
      %dma_wait3A_400 = tpu.memref_squeeze %dma_wait3A_399 : memref<1x128xi32, #tpu.memory_space<vmem>> -> memref<128xi32, #tpu.memory_space<vmem>>
      %dma_wait3A_401 = arith.constant 0 : i32
      %dma_wait3A_402 = arith.constant 0 : i32
      %dma_wait3A_403 = tpu.memref_slice %arg3[%dma_wait3A_401, %dma_wait3A_402] : memref<1000000x32xf32, #tpu.memory_space<hbm>> -> memref<1000000x32xf32, #tpu.memory_space<hbm>>
      tpu.wait_indirect_dma semaphore(%arg7 : memref<!tpu.dma_semaphore, #tpu.memory_space<semaphore_mem>>) src(%dma_wait3A_403 : memref<1000000x32xf32, #tpu.memory_space<hbm>>) dst(%dma_wait3A_397 : memref<128x32xf32, #tpu.memory_space<vmem>>)
      %mul3A_404 = arith.constant 8 : i32
      %mul3A_405 = arith.muli %scan3A_200, %mul3A_404 : i32
      %add3A_406 = arith.constant 6 : i32
      %add3A_407 = arith.addi %mul3A_405, %add3A_406 : i32
      %dma_wait3A_408 = arith.constant 768 : i32
      %dma_wait3A_409 = arith.constant 0 : i32
      %dma_wait3A_410 = tpu.memref_slice %arg6[%rem3A_319, %dma_wait3A_408, %dma_wait3A_409] : memref<2x1024x32xf32, #tpu.memory_space<vmem>> -> memref<1x128x32xf32, #tpu.memory_space<vmem>>
      %dma_wait3A_411 = tpu.memref_squeeze %dma_wait3A_410 : memref<1x128x32xf32, #tpu.memory_space<vmem>> -> memref<128x32xf32, #tpu.memory_space<vmem>>
      %dma_wait3A_412 = arith.constant 0 : i32
      %dma_wait3A_413 = tpu.memref_slice %arg5[%add3A_407, %dma_wait3A_412] : memref<104x128xi32, #tpu.memory_space<vmem>> -> memref<1x128xi32, #tpu.memory_space<vmem>>
      %dma_wait3A_414 = tpu.memref_squeeze %dma_wait3A_413 : memref<1x128xi32, #tpu.memory_space<vmem>> -> memref<128xi32, #tpu.memory_space<vmem>>
      %dma_wait3A_415 = arith.constant 0 : i32
      %dma_wait3A_416 = arith.constant 0 : i32
      %dma_wait3A_417 = tpu.memref_slice %arg3[%dma_wait3A_415, %dma_wait3A_416] : memref<1000000x32xf32, #tpu.memory_space<hbm>> -> memref<1000000x32xf32, #tpu.memory_space<hbm>>
      tpu.wait_indirect_dma semaphore(%arg7 : memref<!tpu.dma_semaphore, #tpu.memory_space<semaphore_mem>>) src(%dma_wait3A_417 : memref<1000000x32xf32, #tpu.memory_space<hbm>>) dst(%dma_wait3A_411 : memref<128x32xf32, #tpu.memory_space<vmem>>)
      %mul3A_418 = arith.constant 8 : i32
      %mul3A_419 = arith.muli %scan3A_200, %mul3A_418 : i32
      %add3A_420 = arith.constant 7 : i32
      %add3A_421 = arith.addi %mul3A_419, %add3A_420 : i32
      %dma_wait3A_422 = arith.constant 896 : i32
      %dma_wait3A_423 = arith.constant 0 : i32
      %dma_wait3A_424 = tpu.memref_slice %arg6[%rem3A_319, %dma_wait3A_422, %dma_wait3A_423] : memref<2x1024x32xf32, #tpu.memory_space<vmem>> -> memref<1x128x32xf32, #tpu.memory_space<vmem>>
      %dma_wait3A_425 = tpu.memref_squeeze %dma_wait3A_424 : memref<1x128x32xf32, #tpu.memory_space<vmem>> -> memref<128x32xf32, #tpu.memory_space<vmem>>
      %dma_wait3A_426 = arith.constant 0 : i32
      %dma_wait3A_427 = tpu.memref_slice %arg5[%add3A_421, %dma_wait3A_426] : memref<104x128xi32, #tpu.memory_space<vmem>> -> memref<1x128xi32, #tpu.memory_space<vmem>>
      %dma_wait3A_428 = tpu.memref_squeeze %dma_wait3A_427 : memref<1x128xi32, #tpu.memory_space<vmem>> -> memref<128xi32, #tpu.memory_space<vmem>>
      %dma_wait3A_429 = arith.constant 0 : i32
      %dma_wait3A_430 = arith.constant 0 : i32
      %dma_wait3A_431 = tpu.memref_slice %arg3[%dma_wait3A_429, %dma_wait3A_430] : memref<1000000x32xf32, #tpu.memory_space<hbm>> -> memref<1000000x32xf32, #tpu.memory_space<hbm>>
      tpu.wait_indirect_dma semaphore(%arg7 : memref<!tpu.dma_semaphore, #tpu.memory_space<semaphore_mem>>) src(%dma_wait3A_431 : memref<1000000x32xf32, #tpu.memory_space<hbm>>) dst(%dma_wait3A_425 : memref<128x32xf32, #tpu.memory_space<vmem>>)
      %mul3A_432 = arith.constant 1024 : i32
      %mul3A_433 = arith.muli %scan3A_200, %mul3A_432 : i32
      %add3A_434 = arith.addi %mul3A_2, %mul3A_433 : i32
      "tpu.region"() ({
        %run_scoped3A_435 = tpu.sem_alloc : memref<!tpu.dma_semaphore, #tpu.memory_space<semaphore_mem>>
        %dma_start3A_436 = arith.constant 0 : i32
        %dma_start3A_437 = arith.constant 0 : i32
        %dma_start3A_438 = tpu.memref_slice %arg6[%rem3A_319, %dma_start3A_436, %dma_start3A_437] : memref<2x1024x32xf32, #tpu.memory_space<vmem>> -> memref<1x1024x32xf32, #tpu.memory_space<vmem>>
        %dma_start3A_439 = tpu.memref_squeeze %dma_start3A_438 : memref<1x1024x32xf32, #tpu.memory_space<vmem>> -> memref<1024x32xf32, #tpu.memory_space<vmem>>
        %dma_start3A_440 = arith.constant 0 : i32
        %dma_start3A_441 = tpu.memref_slice %arg4[%add3A_434, %dma_start3A_440] : memref<425984x32xf32, #tpu.memory_space<hbm>> -> memref<1024x32xf32, #tpu.memory_space<hbm>>
        %dma_start3A_442 = arith.constant 0 : i32
        %dma_start3A_443 = tpu.memref_slice %arg4[%add3A_434, %dma_start3A_442] : memref<425984x32xf32, #tpu.memory_space<hbm>> -> memref<1024x32xf32, #tpu.memory_space<hbm>>
        %dma_start3A_444 = arith.constant 0 : i32
        %dma_start3A_445 = arith.constant 0 : i32
        %dma_start3A_446 = tpu.memref_slice %arg6[%rem3A_319, %dma_start3A_444, %dma_start3A_445] : memref<2x1024x32xf32, #tpu.memory_space<vmem>> -> memref<1x1024x32xf32, #tpu.memory_space<vmem>>
        %dma_start3A_447 = tpu.memref_squeeze %dma_start3A_446 : memref<1x1024x32xf32, #tpu.memory_space<vmem>> -> memref<1024x32xf32, #tpu.memory_space<vmem>>
        tpu.enqueue_dma source(%dma_start3A_447 : memref<1024x32xf32, #tpu.memory_space<vmem>>) target(%dma_start3A_443 : memref<1024x32xf32, #tpu.memory_space<hbm>>) target_semaphore(%run_scoped3A_435 : memref<!tpu.dma_semaphore, #tpu.memory_space<semaphore_mem>>)
        %dma_wait3A_448 = arith.constant 0 : i32
        %dma_wait3A_449 = arith.constant 0 : i32
        %dma_wait3A_450 = tpu.memref_slice %arg6[%rem3A_319, %dma_wait3A_448, %dma_wait3A_449] : memref<2x1024x32xf32, #tpu.memory_space<vmem>> -> memref<1x1024x32xf32, #tpu.memory_space<vmem>>
        %dma_wait3A_451 = tpu.memref_squeeze %dma_wait3A_450 : memref<1x1024x32xf32, #tpu.memory_space<vmem>> -> memref<1024x32xf32, #tpu.memory_space<vmem>>
        %dma_wait3A_452 = arith.constant 0 : i32
        %dma_wait3A_453 = tpu.memref_slice %arg4[%add3A_434, %dma_wait3A_452] : memref<425984x32xf32, #tpu.memory_space<hbm>> -> memref<1024x32xf32, #tpu.memory_space<hbm>>
        %dma_wait3A_454 = arith.constant 0 : i32
        %dma_wait3A_455 = tpu.memref_slice %arg4[%add3A_434, %dma_wait3A_454] : memref<425984x32xf32, #tpu.memory_space<hbm>> -> memref<1024x32xf32, #tpu.memory_space<hbm>>
        %dma_wait3A_456 = arith.constant 0 : i32
        %dma_wait3A_457 = arith.constant 0 : i32
        %dma_wait3A_458 = tpu.memref_slice %arg6[%rem3A_319, %dma_wait3A_456, %dma_wait3A_457] : memref<2x1024x32xf32, #tpu.memory_space<vmem>> -> memref<1x1024x32xf32, #tpu.memory_space<vmem>>
        %dma_wait3A_459 = tpu.memref_squeeze %dma_wait3A_458 : memref<1x1024x32xf32, #tpu.memory_space<vmem>> -> memref<1024x32xf32, #tpu.memory_space<vmem>>
        tpu.wait_dma2 semaphore(%run_scoped3A_435 : memref<!tpu.dma_semaphore, #tpu.memory_space<semaphore_mem>>) src(%dma_wait3A_459 : memref<1024x32xf32, #tpu.memory_space<vmem>>) dst(%dma_wait3A_455 : memref<1024x32xf32, #tpu.memory_space<hbm>>)
        tpu.yield
      }) : () -> ()
    }
    %scan3A_102 = arith.constant 12 : i32
    %dma_wait3A = arith.constant 96 : i32
    %dma_wait3A_103 = arith.constant 0 : i32
    %dma_wait3A_104 = arith.constant 0 : i32
    %dma_wait3A_105 = arith.constant 0 : i32
    %dma_wait3A_106 = tpu.memref_slice %arg6[%dma_wait3A_103, %dma_wait3A_104, %dma_wait3A_105] : memref<2x1024x32xf32, #tpu.memory_space<vmem>> -> memref<1x128x32xf32, #tpu.memory_space<vmem>>
    %dma_wait3A_107 = tpu.memref_squeeze %dma_wait3A_106 : memref<1x128x32xf32, #tpu.memory_space<vmem>> -> memref<128x32xf32, #tpu.memory_space<vmem>>
    %dma_wait3A_108 = arith.constant 0 : i32
    %dma_wait3A_109 = tpu.memref_slice %arg5[%dma_wait3A, %dma_wait3A_108] : memref<104x128xi32, #tpu.memory_space<vmem>> -> memref<1x128xi32, #tpu.memory_space<vmem>>
    %dma_wait3A_110 = tpu.memref_squeeze %dma_wait3A_109 : memref<1x128xi32, #tpu.memory_space<vmem>> -> memref<128xi32, #tpu.memory_space<vmem>>
    %dma_wait3A_111 = arith.constant 0 : i32
    %dma_wait3A_112 = arith.constant 0 : i32
    %dma_wait3A_113 = tpu.memref_slice %arg3[%dma_wait3A_111, %dma_wait3A_112] : memref<1000000x32xf32, #tpu.memory_space<hbm>> -> memref<1000000x32xf32, #tpu.memory_space<hbm>>
    tpu.wait_indirect_dma semaphore(%arg7 : memref<!tpu.dma_semaphore, #tpu.memory_space<semaphore_mem>>) src(%dma_wait3A_113 : memref<1000000x32xf32, #tpu.memory_space<hbm>>) dst(%dma_wait3A_107 : memref<128x32xf32, #tpu.memory_space<vmem>>)
    %dma_wait3A_114 = arith.constant 97 : i32
    %dma_wait3A_115 = arith.constant 0 : i32
    %dma_wait3A_116 = arith.constant 128 : i32
    %dma_wait3A_117 = arith.constant 0 : i32
    %dma_wait3A_118 = tpu.memref_slice %arg6[%dma_wait3A_115, %dma_wait3A_116, %dma_wait3A_117] : memref<2x1024x32xf32, #tpu.memory_space<vmem>> -> memref<1x128x32xf32, #tpu.memory_space<vmem>>
    %dma_wait3A_119 = tpu.memref_squeeze %dma_wait3A_118 : memref<1x128x32xf32, #tpu.memory_space<vmem>> -> memref<128x32xf32, #tpu.memory_space<vmem>>
    %dma_wait3A_120 = arith.constant 0 : i32
    %dma_wait3A_121 = tpu.memref_slice %arg5[%dma_wait3A_114, %dma_wait3A_120] : memref<104x128xi32, #tpu.memory_space<vmem>> -> memref<1x128xi32, #tpu.memory_space<vmem>>
    %dma_wait3A_122 = tpu.memref_squeeze %dma_wait3A_121 : memref<1x128xi32, #tpu.memory_space<vmem>> -> memref<128xi32, #tpu.memory_space<vmem>>
    %dma_wait3A_123 = arith.constant 0 : i32
    %dma_wait3A_124 = arith.constant 0 : i32
    %dma_wait3A_125 = tpu.memref_slice %arg3[%dma_wait3A_123, %dma_wait3A_124] : memref<1000000x32xf32, #tpu.memory_space<hbm>> -> memref<1000000x32xf32, #tpu.memory_space<hbm>>
    tpu.wait_indirect_dma semaphore(%arg7 : memref<!tpu.dma_semaphore, #tpu.memory_space<semaphore_mem>>) src(%dma_wait3A_125 : memref<1000000x32xf32, #tpu.memory_space<hbm>>) dst(%dma_wait3A_119 : memref<128x32xf32, #tpu.memory_space<vmem>>)
    %dma_wait3A_126 = arith.constant 98 : i32
    %dma_wait3A_127 = arith.constant 0 : i32
    %dma_wait3A_128 = arith.constant 256 : i32
    %dma_wait3A_129 = arith.constant 0 : i32
    %dma_wait3A_130 = tpu.memref_slice %arg6[%dma_wait3A_127, %dma_wait3A_128, %dma_wait3A_129] : memref<2x1024x32xf32, #tpu.memory_space<vmem>> -> memref<1x128x32xf32, #tpu.memory_space<vmem>>
    %dma_wait3A_131 = tpu.memref_squeeze %dma_wait3A_130 : memref<1x128x32xf32, #tpu.memory_space<vmem>> -> memref<128x32xf32, #tpu.memory_space<vmem>>
    %dma_wait3A_132 = arith.constant 0 : i32
    %dma_wait3A_133 = tpu.memref_slice %arg5[%dma_wait3A_126, %dma_wait3A_132] : memref<104x128xi32, #tpu.memory_space<vmem>> -> memref<1x128xi32, #tpu.memory_space<vmem>>
    %dma_wait3A_134 = tpu.memref_squeeze %dma_wait3A_133 : memref<1x128xi32, #tpu.memory_space<vmem>> -> memref<128xi32, #tpu.memory_space<vmem>>
    %dma_wait3A_135 = arith.constant 0 : i32
    %dma_wait3A_136 = arith.constant 0 : i32
    %dma_wait3A_137 = tpu.memref_slice %arg3[%dma_wait3A_135, %dma_wait3A_136] : memref<1000000x32xf32, #tpu.memory_space<hbm>> -> memref<1000000x32xf32, #tpu.memory_space<hbm>>
    tpu.wait_indirect_dma semaphore(%arg7 : memref<!tpu.dma_semaphore, #tpu.memory_space<semaphore_mem>>) src(%dma_wait3A_137 : memref<1000000x32xf32, #tpu.memory_space<hbm>>) dst(%dma_wait3A_131 : memref<128x32xf32, #tpu.memory_space<vmem>>)
    %dma_wait3A_138 = arith.constant 99 : i32
    %dma_wait3A_139 = arith.constant 0 : i32
    %dma_wait3A_140 = arith.constant 384 : i32
    %dma_wait3A_141 = arith.constant 0 : i32
    %dma_wait3A_142 = tpu.memref_slice %arg6[%dma_wait3A_139, %dma_wait3A_140, %dma_wait3A_141] : memref<2x1024x32xf32, #tpu.memory_space<vmem>> -> memref<1x128x32xf32, #tpu.memory_space<vmem>>
    %dma_wait3A_143 = tpu.memref_squeeze %dma_wait3A_142 : memref<1x128x32xf32, #tpu.memory_space<vmem>> -> memref<128x32xf32, #tpu.memory_space<vmem>>
    %dma_wait3A_144 = arith.constant 0 : i32
    %dma_wait3A_145 = tpu.memref_slice %arg5[%dma_wait3A_138, %dma_wait3A_144] : memref<104x128xi32, #tpu.memory_space<vmem>> -> memref<1x128xi32, #tpu.memory_space<vmem>>
    %dma_wait3A_146 = tpu.memref_squeeze %dma_wait3A_145 : memref<1x128xi32, #tpu.memory_space<vmem>> -> memref<128xi32, #tpu.memory_space<vmem>>
    %dma_wait3A_147 = arith.constant 0 : i32
    %dma_wait3A_148 = arith.constant 0 : i32
    %dma_wait3A_149 = tpu.memref_slice %arg3[%dma_wait3A_147, %dma_wait3A_148] : memref<1000000x32xf32, #tpu.memory_space<hbm>> -> memref<1000000x32xf32, #tpu.memory_space<hbm>>
    tpu.wait_indirect_dma semaphore(%arg7 : memref<!tpu.dma_semaphore, #tpu.memory_space<semaphore_mem>>) src(%dma_wait3A_149 : memref<1000000x32xf32, #tpu.memory_space<hbm>>) dst(%dma_wait3A_143 : memref<128x32xf32, #tpu.memory_space<vmem>>)
    %dma_wait3A_150 = arith.constant 100 : i32
    %dma_wait3A_151 = arith.constant 0 : i32
    %dma_wait3A_152 = arith.constant 512 : i32
    %dma_wait3A_153 = arith.constant 0 : i32
    %dma_wait3A_154 = tpu.memref_slice %arg6[%dma_wait3A_151, %dma_wait3A_152, %dma_wait3A_153] : memref<2x1024x32xf32, #tpu.memory_space<vmem>> -> memref<1x128x32xf32, #tpu.memory_space<vmem>>
    %dma_wait3A_155 = tpu.memref_squeeze %dma_wait3A_154 : memref<1x128x32xf32, #tpu.memory_space<vmem>> -> memref<128x32xf32, #tpu.memory_space<vmem>>
    %dma_wait3A_156 = arith.constant 0 : i32
    %dma_wait3A_157 = tpu.memref_slice %arg5[%dma_wait3A_150, %dma_wait3A_156] : memref<104x128xi32, #tpu.memory_space<vmem>> -> memref<1x128xi32, #tpu.memory_space<vmem>>
    %dma_wait3A_158 = tpu.memref_squeeze %dma_wait3A_157 : memref<1x128xi32, #tpu.memory_space<vmem>> -> memref<128xi32, #tpu.memory_space<vmem>>
    %dma_wait3A_159 = arith.constant 0 : i32
    %dma_wait3A_160 = arith.constant 0 : i32
    %dma_wait3A_161 = tpu.memref_slice %arg3[%dma_wait3A_159, %dma_wait3A_160] : memref<1000000x32xf32, #tpu.memory_space<hbm>> -> memref<1000000x32xf32, #tpu.memory_space<hbm>>
    tpu.wait_indirect_dma semaphore(%arg7 : memref<!tpu.dma_semaphore, #tpu.memory_space<semaphore_mem>>) src(%dma_wait3A_161 : memref<1000000x32xf32, #tpu.memory_space<hbm>>) dst(%dma_wait3A_155 : memref<128x32xf32, #tpu.memory_space<vmem>>)
    %dma_wait3A_162 = arith.constant 101 : i32
    %dma_wait3A_163 = arith.constant 0 : i32
    %dma_wait3A_164 = arith.constant 640 : i32
    %dma_wait3A_165 = arith.constant 0 : i32
    %dma_wait3A_166 = tpu.memref_slice %arg6[%dma_wait3A_163, %dma_wait3A_164, %dma_wait3A_165] : memref<2x1024x32xf32, #tpu.memory_space<vmem>> -> memref<1x128x32xf32, #tpu.memory_space<vmem>>
    %dma_wait3A_167 = tpu.memref_squeeze %dma_wait3A_166 : memref<1x128x32xf32, #tpu.memory_space<vmem>> -> memref<128x32xf32, #tpu.memory_space<vmem>>
    %dma_wait3A_168 = arith.constant 0 : i32
    %dma_wait3A_169 = tpu.memref_slice %arg5[%dma_wait3A_162, %dma_wait3A_168] : memref<104x128xi32, #tpu.memory_space<vmem>> -> memref<1x128xi32, #tpu.memory_space<vmem>>
    %dma_wait3A_170 = tpu.memref_squeeze %dma_wait3A_169 : memref<1x128xi32, #tpu.memory_space<vmem>> -> memref<128xi32, #tpu.memory_space<vmem>>
    %dma_wait3A_171 = arith.constant 0 : i32
    %dma_wait3A_172 = arith.constant 0 : i32
    %dma_wait3A_173 = tpu.memref_slice %arg3[%dma_wait3A_171, %dma_wait3A_172] : memref<1000000x32xf32, #tpu.memory_space<hbm>> -> memref<1000000x32xf32, #tpu.memory_space<hbm>>
    tpu.wait_indirect_dma semaphore(%arg7 : memref<!tpu.dma_semaphore, #tpu.memory_space<semaphore_mem>>) src(%dma_wait3A_173 : memref<1000000x32xf32, #tpu.memory_space<hbm>>) dst(%dma_wait3A_167 : memref<128x32xf32, #tpu.memory_space<vmem>>)
    %dma_wait3A_174 = arith.constant 102 : i32
    %dma_wait3A_175 = arith.constant 0 : i32
    %dma_wait3A_176 = arith.constant 768 : i32
    %dma_wait3A_177 = arith.constant 0 : i32
    %dma_wait3A_178 = tpu.memref_slice %arg6[%dma_wait3A_175, %dma_wait3A_176, %dma_wait3A_177] : memref<2x1024x32xf32, #tpu.memory_space<vmem>> -> memref<1x128x32xf32, #tpu.memory_space<vmem>>
    %dma_wait3A_179 = tpu.memref_squeeze %dma_wait3A_178 : memref<1x128x32xf32, #tpu.memory_space<vmem>> -> memref<128x32xf32, #tpu.memory_space<vmem>>
    %dma_wait3A_180 = arith.constant 0 : i32
    %dma_wait3A_181 = tpu.memref_slice %arg5[%dma_wait3A_174, %dma_wait3A_180] : memref<104x128xi32, #tpu.memory_space<vmem>> -> memref<1x128xi32, #tpu.memory_space<vmem>>
    %dma_wait3A_182 = tpu.memref_squeeze %dma_wait3A_181 : memref<1x128xi32, #tpu.memory_space<vmem>> -> memref<128xi32, #tpu.memory_space<vmem>>
    %dma_wait3A_183 = arith.constant 0 : i32
    %dma_wait3A_184 = arith.constant 0 : i32
    %dma_wait3A_185 = tpu.memref_slice %arg3[%dma_wait3A_183, %dma_wait3A_184] : memref<1000000x32xf32, #tpu.memory_space<hbm>> -> memref<1000000x32xf32, #tpu.memory_space<hbm>>
    tpu.wait_indirect_dma semaphore(%arg7 : memref<!tpu.dma_semaphore, #tpu.memory_space<semaphore_mem>>) src(%dma_wait3A_185 : memref<1000000x32xf32, #tpu.memory_space<hbm>>) dst(%dma_wait3A_179 : memref<128x32xf32, #tpu.memory_space<vmem>>)
    %dma_wait3A_186 = arith.constant 103 : i32
    %dma_wait3A_187 = arith.constant 0 : i32
    %dma_wait3A_188 = arith.constant 896 : i32
    %dma_wait3A_189 = arith.constant 0 : i32
    %dma_wait3A_190 = tpu.memref_slice %arg6[%dma_wait3A_187, %dma_wait3A_188, %dma_wait3A_189] : memref<2x1024x32xf32, #tpu.memory_space<vmem>> -> memref<1x128x32xf32, #tpu.memory_space<vmem>>
    %dma_wait3A_191 = tpu.memref_squeeze %dma_wait3A_190 : memref<1x128x32xf32, #tpu.memory_space<vmem>> -> memref<128x32xf32, #tpu.memory_space<vmem>>
    %dma_wait3A_192 = arith.constant 0 : i32
    %dma_wait3A_193 = tpu.memref_slice %arg5[%dma_wait3A_186, %dma_wait3A_192] : memref<104x128xi32, #tpu.memory_space<vmem>> -> memref<1x128xi32, #tpu.memory_space<vmem>>
    %dma_wait3A_194 = tpu.memref_squeeze %dma_wait3A_193 : memref<1x128xi32, #tpu.memory_space<vmem>> -> memref<128xi32, #tpu.memory_space<vmem>>
    %dma_wait3A_195 = arith.constant 0 : i32
    %dma_wait3A_196 = arith.constant 0 : i32
    %dma_wait3A_197 = tpu.memref_slice %arg3[%dma_wait3A_195, %dma_wait3A_196] : memref<1000000x32xf32, #tpu.memory_space<hbm>> -> memref<1000000x32xf32, #tpu.memory_space<hbm>>
    tpu.wait_indirect_dma semaphore(%arg7 : memref<!tpu.dma_semaphore, #tpu.memory_space<semaphore_mem>>) src(%dma_wait3A_197 : memref<1000000x32xf32, #tpu.memory_space<hbm>>) dst(%dma_wait3A_191 : memref<128x32xf32, #tpu.memory_space<vmem>>)
    %add3A_198 = arith.constant 12288 : i32
    %add3A_199 = arith.addi %mul3A_2, %add3A_198 : i32
    %run_scoped3A = arith.constant 0 : i32
    "tpu.region"() ({
      %run_scoped3A_200 = tpu.sem_alloc : memref<!tpu.dma_semaphore, #tpu.memory_space<semaphore_mem>>
      %dma_start3A_201 = arith.constant 0 : i32
      %dma_start3A_202 = arith.constant 0 : i32
      %dma_start3A_203 = tpu.memref_slice %arg6[%run_scoped3A, %dma_start3A_201, %dma_start3A_202] : memref<2x1024x32xf32, #tpu.memory_space<vmem>> -> memref<1x1024x32xf32, #tpu.memory_space<vmem>>
      %dma_start3A_204 = tpu.memref_squeeze %dma_start3A_203 : memref<1x1024x32xf32, #tpu.memory_space<vmem>> -> memref<1024x32xf32, #tpu.memory_space<vmem>>
      %dma_start3A_205 = arith.constant 0 : i32
      %dma_start3A_206 = tpu.memref_slice %arg4[%add3A_199, %dma_start3A_205] : memref<425984x32xf32, #tpu.memory_space<hbm>> -> memref<1024x32xf32, #tpu.memory_space<hbm>>
      %dma_start3A_207 = arith.constant 0 : i32
      %dma_start3A_208 = tpu.memref_slice %arg4[%add3A_199, %dma_start3A_207] : memref<425984x32xf32, #tpu.memory_space<hbm>> -> memref<1024x32xf32, #tpu.memory_space<hbm>>
      %dma_start3A_209 = arith.constant 0 : i32
      %dma_start3A_210 = arith.constant 0 : i32
      %dma_start3A_211 = tpu.memref_slice %arg6[%run_scoped3A, %dma_start3A_209, %dma_start3A_210] : memref<2x1024x32xf32, #tpu.memory_space<vmem>> -> memref<1x1024x32xf32, #tpu.memory_space<vmem>>
      %dma_start3A_212 = tpu.memref_squeeze %dma_start3A_211 : memref<1x1024x32xf32, #tpu.memory_space<vmem>> -> memref<1024x32xf32, #tpu.memory_space<vmem>>
      tpu.enqueue_dma source(%dma_start3A_212 : memref<1024x32xf32, #tpu.memory_space<vmem>>) target(%dma_start3A_208 : memref<1024x32xf32, #tpu.memory_space<hbm>>) target_semaphore(%run_scoped3A_200 : memref<!tpu.dma_semaphore, #tpu.memory_space<semaphore_mem>>)
      %dma_wait3A_213 = arith.constant 0 : i32
      %dma_wait3A_214 = arith.constant 0 : i32
      %dma_wait3A_215 = tpu.memref_slice %arg6[%run_scoped3A, %dma_wait3A_213, %dma_wait3A_214] : memref<2x1024x32xf32, #tpu.memory_space<vmem>> -> memref<1x1024x32xf32, #tpu.memory_space<vmem>>
      %dma_wait3A_216 = tpu.memref_squeeze %dma_wait3A_215 : memref<1x1024x32xf32, #tpu.memory_space<vmem>> -> memref<1024x32xf32, #tpu.memory_space<vmem>>
      %dma_wait3A_217 = arith.constant 0 : i32
      %dma_wait3A_218 = tpu.memref_slice %arg4[%add3A_199, %dma_wait3A_217] : memref<425984x32xf32, #tpu.memory_space<hbm>> -> memref<1024x32xf32, #tpu.memory_space<hbm>>
      %dma_wait3A_219 = arith.constant 0 : i32
      %dma_wait3A_220 = tpu.memref_slice %arg4[%add3A_199, %dma_wait3A_219] : memref<425984x32xf32, #tpu.memory_space<hbm>> -> memref<1024x32xf32, #tpu.memory_space<hbm>>
      %dma_wait3A_221 = arith.constant 0 : i32
      %dma_wait3A_222 = arith.constant 0 : i32
      %dma_wait3A_223 = tpu.memref_slice %arg6[%run_scoped3A, %dma_wait3A_221, %dma_wait3A_222] : memref<2x1024x32xf32, #tpu.memory_space<vmem>> -> memref<1x1024x32xf32, #tpu.memory_space<vmem>>
      %dma_wait3A_224 = tpu.memref_squeeze %dma_wait3A_223 : memref<1x1024x32xf32, #tpu.memory_space<vmem>> -> memref<1024x32xf32, #tpu.memory_space<vmem>>
      tpu.wait_dma2 semaphore(%run_scoped3A_200 : memref<!tpu.dma_semaphore, #tpu.memory_space<semaphore_mem>>) src(%dma_wait3A_224 : memref<1024x32xf32, #tpu.memory_space<vmem>>) dst(%dma_wait3A_220 : memref<1024x32xf32, #tpu.memory_space<hbm>>)
      tpu.yield
    }) : () -> ()
    return
  }
}

module attributes {stable_mosaic.version = 14 : i64} {
  func.func @body(%arg0: i32, %arg1: memref<32x8192xf32, #tpu.memory_space<vmem>>, %arg2: memref<262144xf32, #tpu.memory_space<vmem>>) attributes {dimension_semantics = [#tpu.dimension_semantics<arbitrary>], iteration_bounds = array<i64: 123>, scalar_prefetch = 0 : i64, scratch_operands = 0 : i64, tpu.core_type = #tpu.core_type<tc>, window_params = [{transform_indices = @transform_0, window_bounds = array<i64: 32, 8192>}, {transform_indices = @transform_1, window_bounds = array<i64: 262144>}]} {
    %get3A = arith.constant 0 : index
    %get3A_0 = arith.constant 0 : index
    %get3A_1 = vector.load %arg1[%get3A, %get3A_0] : memref<32x8192xf32, #tpu.memory_space<vmem>>, vector<32x8192xf32>
    %transpose3A = tpu.transpose %get3A_1, [1, 0] : vector<32x8192xf32> -> vector<8192x32xf32>
    %reshape3A = vector.shape_cast %transpose3A : vector<8192x32xf32> to vector<2048x4x32xf32>
    %broadcast_in_dim3A = arith.constant 0.000000e+00 : f32
    %broadcast_in_dim3A_2 = vector.broadcast %broadcast_in_dim3A : f32 to vector<2048x128xf32>
    %slice3A = vector.extract_strided_slice %reshape3A {offsets = [0, 0, 0], sizes = [2048, 1, 32], strides = [1, 1, 1]} : vector<2048x4x32xf32> to vector<2048x1x32xf32>
    %squeeze3A = vector.shape_cast %slice3A : vector<2048x1x32xf32> to vector<2048x32xf32>
    %iota3A = tpu.iota {dimensions = array<i32: 0>} : vector<32x128xi32>
    %iota3A_3 = tpu.iota {dimensions = array<i32: 1>} : vector<32x128xi32>
    %add3A = arith.constant 0 : i32
    %add3A_4 = vector.broadcast %add3A : i32 to vector<32x128xi32>
    %add3A_5 = arith.addi %add3A_4, %iota3A : vector<32x128xi32>
    %eq3A = arith.cmpi eq, %iota3A_3, %add3A_5 : vector<32x128xi32>
    %convert_element_type3A = arith.extui %eq3A : vector<32x128xi1> to vector<32x128xi32>
    %convert_element_type3A_6 = arith.sitofp %convert_element_type3A : vector<32x128xi32> to vector<32x128xf32>
    %dot_general3A = arith.constant dense<0.000000e+00> : vector<2048x128xf32>
    %dot_general3A_7 = tpu.matmul %squeeze3A, %convert_element_type3A_6, %dot_general3A {dimension_numbers = #tpu.dot_dimension_numbers<[1], [0], [0], [1], [0, 0, 1, 1], [], []>, transpose_lhs_hint = false} : vector<2048x32xf32>, vector<32x128xf32>, vector<2048x128xf32> -> vector<2048x128xf32>
    %add3A_8 = arith.addf %broadcast_in_dim3A_2, %dot_general3A_7 : vector<2048x128xf32>
    %slice3A_9 = vector.extract_strided_slice %reshape3A {offsets = [0, 1, 0], sizes = [2048, 1, 32], strides = [1, 1, 1]} : vector<2048x4x32xf32> to vector<2048x1x32xf32>
    %squeeze3A_10 = vector.shape_cast %slice3A_9 : vector<2048x1x32xf32> to vector<2048x32xf32>
    %iota3A_11 = tpu.iota {dimensions = array<i32: 0>} : vector<32x128xi32>
    %iota3A_12 = tpu.iota {dimensions = array<i32: 1>} : vector<32x128xi32>
    %add3A_13 = arith.constant 32 : i32
    %add3A_14 = vector.broadcast %add3A_13 : i32 to vector<32x128xi32>
    %add3A_15 = arith.addi %add3A_14, %iota3A_11 : vector<32x128xi32>
    %eq3A_16 = arith.cmpi eq, %iota3A_12, %add3A_15 : vector<32x128xi32>
    %convert_element_type3A_17 = arith.extui %eq3A_16 : vector<32x128xi1> to vector<32x128xi32>
    %convert_element_type3A_18 = arith.sitofp %convert_element_type3A_17 : vector<32x128xi32> to vector<32x128xf32>
    %dot_general3A_19 = arith.constant dense<0.000000e+00> : vector<2048x128xf32>
    %dot_general3A_20 = tpu.matmul %squeeze3A_10, %convert_element_type3A_18, %dot_general3A_19 {dimension_numbers = #tpu.dot_dimension_numbers<[1], [0], [0], [1], [0, 0, 1, 1], [], []>, transpose_lhs_hint = false} : vector<2048x32xf32>, vector<32x128xf32>, vector<2048x128xf32> -> vector<2048x128xf32>
    %add3A_21 = arith.addf %add3A_8, %dot_general3A_20 : vector<2048x128xf32>
    %slice3A_22 = vector.extract_strided_slice %reshape3A {offsets = [0, 2, 0], sizes = [2048, 1, 32], strides = [1, 1, 1]} : vector<2048x4x32xf32> to vector<2048x1x32xf32>
    %squeeze3A_23 = vector.shape_cast %slice3A_22 : vector<2048x1x32xf32> to vector<2048x32xf32>
    %iota3A_24 = tpu.iota {dimensions = array<i32: 0>} : vector<32x128xi32>
    %iota3A_25 = tpu.iota {dimensions = array<i32: 1>} : vector<32x128xi32>
    %add3A_26 = arith.constant 64 : i32
    %add3A_27 = vector.broadcast %add3A_26 : i32 to vector<32x128xi32>
    %add3A_28 = arith.addi %add3A_27, %iota3A_24 : vector<32x128xi32>
    %eq3A_29 = arith.cmpi eq, %iota3A_25, %add3A_28 : vector<32x128xi32>
    %convert_element_type3A_30 = arith.extui %eq3A_29 : vector<32x128xi1> to vector<32x128xi32>
    %convert_element_type3A_31 = arith.sitofp %convert_element_type3A_30 : vector<32x128xi32> to vector<32x128xf32>
    %dot_general3A_32 = arith.constant dense<0.000000e+00> : vector<2048x128xf32>
    %dot_general3A_33 = tpu.matmul %squeeze3A_23, %convert_element_type3A_31, %dot_general3A_32 {dimension_numbers = #tpu.dot_dimension_numbers<[1], [0], [0], [1], [0, 0, 1, 1], [], []>, transpose_lhs_hint = false} : vector<2048x32xf32>, vector<32x128xf32>, vector<2048x128xf32> -> vector<2048x128xf32>
    %add3A_34 = arith.addf %add3A_21, %dot_general3A_33 : vector<2048x128xf32>
    %slice3A_35 = vector.extract_strided_slice %reshape3A {offsets = [0, 3, 0], sizes = [2048, 1, 32], strides = [1, 1, 1]} : vector<2048x4x32xf32> to vector<2048x1x32xf32>
    %squeeze3A_36 = vector.shape_cast %slice3A_35 : vector<2048x1x32xf32> to vector<2048x32xf32>
    %iota3A_37 = tpu.iota {dimensions = array<i32: 0>} : vector<32x128xi32>
    %iota3A_38 = tpu.iota {dimensions = array<i32: 1>} : vector<32x128xi32>
    %add3A_39 = arith.constant 96 : i32
    %add3A_40 = vector.broadcast %add3A_39 : i32 to vector<32x128xi32>
    %add3A_41 = arith.addi %add3A_40, %iota3A_37 : vector<32x128xi32>
    %eq3A_42 = arith.cmpi eq, %iota3A_38, %add3A_41 : vector<32x128xi32>
    %convert_element_type3A_43 = arith.extui %eq3A_42 : vector<32x128xi1> to vector<32x128xi32>
    %convert_element_type3A_44 = arith.sitofp %convert_element_type3A_43 : vector<32x128xi32> to vector<32x128xf32>
    %dot_general3A_45 = arith.constant dense<0.000000e+00> : vector<2048x128xf32>
    %dot_general3A_46 = tpu.matmul %squeeze3A_36, %convert_element_type3A_44, %dot_general3A_45 {dimension_numbers = #tpu.dot_dimension_numbers<[1], [0], [0], [1], [0, 0, 1, 1], [], []>, transpose_lhs_hint = false} : vector<2048x32xf32>, vector<32x128xf32>, vector<2048x128xf32> -> vector<2048x128xf32>
    %add3A_47 = arith.addf %add3A_34, %dot_general3A_46 : vector<2048x128xf32>
    %reshape3A_48 = vector.shape_cast %add3A_47 : vector<2048x128xf32> to vector<262144xf32>
    %swap3A = arith.constant 0 : index
    %swap3A_49 = vector.load %arg2[%swap3A] : memref<262144xf32, #tpu.memory_space<vmem>>, vector<262144xf32>
    tpu.vector_store %arg2[%swap3A], %reshape3A_48 {strides = array<i32>} : memref<262144xf32, #tpu.memory_space<vmem>>, vector<262144xf32>,
    return
  }
  func.func @transform_0(%arg0: i32) -> (i32, i32) {
    %c0_i32 = arith.constant 0 : i32
    %c0_i32_0 = arith.constant 0 : i32
    return %c0_i32, %arg0 : i32, i32
  }
  func.func @transform_1(%arg0: i32) -> i32 {
    %c0_i32 = arith.constant 0 : i32
    return %arg0 : i32
  }
}

</mosaic_0001>

<sc_bundles>
// kernel: kernel.4.cloned.1.call-start
scs
__scs_entry_jumppad:
0x0: {  	(pc) =	sbr.rel $0x88, $3  }
0x1: {  	(tag) =	ssettag $0x0;
	lr =	simm.s32 $0x1  }
0x2: {  	[smem:$0x3F9F] =	sst lr;
	_ =	strace $0xD0000000  }
0x3: {  	_ = 	snop  }
0x4: {  	_ = 	snop  }
0x5: {  	_ = 	snop  }
0x6: {  	_ = 	snop  }
0x7: {  	_ = 	snop  }
__scs_overlays_trampoline_lowered:
0x8: {  	[smem:$0x3FAE] =	sst s0  }
0x9: {  	[smem:$0x3FAF] =	sst s1  }
0xa: {  	[smem:$0x3FB0] =	sst s2  }
0xb: {  	[smem:$0x3FB1] =	sst s3  }
0xc: {  	[smem:$0x3FB2] =	sst s4  }
0xd: {  	[smem:$0x3FB3] =	sst s5  }
0xe: {  	[smem:$0x3FB4] =	sst s6  }
0xf: {  	[smem:$0x3FB5] =	sst s7  }
0x10: {  	[smem:$0x3FB6] =	sst s8  }
0x11: {  	[smem:$0x3FB7] =	sst s9;
	s0 =	simm.s32 @!p0 $0x0  }
0x12: {  	s1 =	sld [smem:$0x3F9D];
	s0 =	simm.s32 @p0 $0x1  }
0x13: {  	[smem:$0x3FB8] =	sst s0;
	s0 =	simm.s32 @!p1 $0x0  }
0x14: {  	s2 =	sld [smem:$0x3F9C];
	s0 =	simm.s32 @p1 $0x1  }
0x15: {  	[smem:$0x3FB9] =	sst s0;
	s0 =	simm.s32 @!p2 $0x0  }
0x16: {  	s3 =	sld [smem:$0x3FDB];
	s0 =	simm.s32 @p2 $0x1  }
0x17: {  	s4 =	simm.s32 $0x1BF5;
	[smem:$0x3FBB] =	sst s0  }
0x18: {  	s0 =	sld [smem:$0x3F9E];
	_ =	swait.ge [sflag:s4], $0x0  }
0x19: {  	s7 =	sld [smem:$0x3F9F]  }
0x1a: {  	s8 =	sadd.s32 $0xFFFFE003, lr  }
0x1b: {  	s9 =	sadd.s32 $0xFFFFFEF7, lr;
	s5 =	simm.s32 $0xFFFFFFFF;
	p2 =	slt.u32 s8, $0xFFFFF086  }
0x1c: {  	p1 =	slt.u32 s9, $0xF7A;
	s5 =	simm.s32 @!p2 $0x0  }
0x1d: {  	s5 =	simm.s32 @p1 $0x1;
	p0 =	seq.s32 s7, s2  }
0x1e: {  	s7 =	smul.u32 @!p0 $0xF7A, s2;
	p2 =	seq.s32 @!p0 s5, $0x0  }
0x1f: {  	s9 =	smul.u32 $0xF7A, s1;
	s8 =	simm.s32 @!p0 $0x1BF5;
	p2 =	por !p2, p0  }
0x20: {  	[sflag:s8] =	ssyncset.s32 @!p0 $0xFFFFF086;
	s6 =	sadd.s32 @!p0 s3, s7;
	s7 =	simm.s32 @!p0 $0x108  }
0x21: {  	s3 =	sadd.s32 s3, s9;
	s6 =	sadd.s32 @!p0 $0x88, s6;
	s7 =	simm.s32 @p2 $0x1082  }
0x22: {  	[simem:s7], [sflag:s8] =	dma.local @!p0 [hbm:s6], $0xF7A  }
0x23: {  	s9 =	sor.u32 $0xD0000000, s2;
	s6 =	simm.s32 $0x108;
	_ =	swait.ge @!p0 [sflag:s8], $0x0  }
0x24: {  	s3 =	sadd.s32 $0x88, s3;
	s6 =	simm.s32 @!p1 $0x1082;
	[sflag:s4] =	ssyncset.s32 $0xFFFFF086  }
0x25: {  	[simem:s6], [sflag:s4] =	dma.local [hbm:s3], $0xF7A  }
0x26: {  	[smem:$0x3F9F] =	sst s1;
	(tag) =	ssettag s2;
	_ =	strace s9  }
0x27: {  	s1 =	sld [smem:$0x3FAF]  }
0x28: {  	s2 =	sld [smem:$0x3FB0]  }
0x29: {  	s4 =	sld [smem:$0x3FB2]  }
0x2a: {  	p0 =	seq.s32 s5, $0x0;
	s5 =	sld [smem:$0x3FB3]  }
0x2b: {  	s6 =	sld [smem:$0x3FB4]  }
0x2c: {  	s7 =	sld [smem:$0x3FB5]  }
0x2d: {  	s3 =	simm.s32 $0x108;
	s8 =	sld [smem:$0x3FB6]  }
0x2e: {  	s3 =	simm.s32 @!p0 $0x1082;
	s9 =	sld [smem:$0x3FB7]  }
0x2f: {  	lr =	sadd.s32 s0, s3;
	s0 =	sld [smem:$0x3FAE]  }
0x30: {  	s3 =	sld [smem:$0x3FB1]  }
0x31: {  	[smem:$0x3FBA] =	sst s10  }
0x32: {  	s10 =	sld [smem:$0x3FB8];
	_ =	sdelay $0x3  }
0x33: {  	p0 =	seq.s32 s10, $0x1;
	s10 =	sld [smem:$0x3FBA];
	_ =	sdelay $0x3  }
0x34: {  	[smem:$0x3FBA] =	sst s10  }
0x35: {  	s10 =	sld [smem:$0x3FB9];
	_ =	sdelay $0x3  }
0x36: {  	p1 =	seq.s32 s10, $0x1;
	s10 =	sld [smem:$0x3FBA];
	_ =	sdelay $0x3  }
0x37: {  	[smem:$0x3FBA] =	sst s10  }
0x38: {  	s10 =	sld [smem:$0x3FBB]  }
0x39: {  	_ = 	snop;
	(pc) =	sbr.ind lr, $3  }
0x3a: {  	_ = 	snop  }
0x3b: {  	_ = 	snop  }
0x3c: {  	p2 =	seq.s32 s10, $0x1;
	s10 =	sld [smem:$0x3FBA]  }
0x3d: {  	_ =	shalt  }
0x3e: {  	_ =	shalt  }
0x3f: {  	_ =	shalt  }
0x40: {  	_ =	shalt  }
0x41: {  	_ =	shalt  }
0x42: {  	_ =	shalt  }
0x43: {  	_ =	shalt  }
0x44: {  	_ =	shalt  }
0x45: {  	_ =	shalt  }
0x46: {  	_ =	shalt  }
0x47: {  	_ =	shalt  }
0x48: {  	_ =	shalt  }
0x49: {  	_ =	shalt  }
0x4a: {  	_ =	shalt  }
0x4b: {  	_ =	shalt  }
0x4c: {  	_ =	shalt  }
0x4d: {  	_ =	shalt  }
0x4e: {  	_ =	shalt  }
0x4f: {  	_ =	shalt  }
0x50: {  	_ =	shalt  }
0x51: {  	_ =	shalt  }
0x52: {  	_ =	shalt  }
0x53: {  	_ =	shalt  }
0x54: {  	_ =	shalt  }
0x55: {  	_ =	shalt  }
0x56: {  	_ =	shalt  }
0x57: {  	_ =	shalt  }
0x58: {  	_ =	shalt  }
0x59: {  	_ =	shalt  }
0x5a: {  	_ =	shalt  }
0x5b: {  	_ =	shalt  }
0x5c: {  	_ =	shalt  }
0x5d: {  	_ =	shalt  }
0x5e: {  	_ =	shalt  }
0x5f: {  	_ =	shalt  }
0x60: {  	_ =	shalt  }
0x61: {  	_ =	shalt  }
0x62: {  	_ =	shalt  }
0x63: {  	_ =	shalt  }
0x64: {  	_ =	shalt  }
0x65: {  	_ =	shalt  }
0x66: {  	_ =	shalt  }
0x67: {  	_ =	shalt  }
0x68: {  	_ =	shalt  }
0x69: {  	_ =	shalt  }
0x6a: {  	_ =	shalt  }
0x6b: {  	_ =	shalt  }
0x6c: {  	_ =	shalt  }
0x6d: {  	_ =	shalt  }
0x6e: {  	_ =	shalt  }
0x6f: {  	_ =	shalt  }
0x70: {  	_ =	shalt  }
0x71: {  	_ =	shalt  }
0x72: {  	_ =	shalt  }
0x73: {  	_ =	shalt  }
0x74: {  	_ =	shalt  }
0x75: {  	_ =	shalt  }
0x76: {  	_ =	shalt  }
0x77: {  	_ =	shalt  }
0x78: {  	_ =	shalt  }
0x79: {  	_ =	shalt  }
0x7a: {  	_ =	shalt  }
0x7b: {  	_ =	shalt  }
0x7c: {  	_ =	shalt  }
0x7d: {  	_ =	shalt  }
0x7e: {  	_ =	shalt  }
0x7f: {  	_ =	shalt  }
0x80: {  	_ =	shalt  }
0x81: {  	_ =	shalt  }
0x82: {  	_ =	shalt  }
0x83: {  	_ =	shalt  }
0x84: {  	_ =	shalt  }
0x85: {  	_ =	shalt  }
0x86: {  	_ =	shalt  }
0x87: {  	_ =	shalt  }
.Lfunc_end0:
.L_simem_size_0:
called_computation.1_lowered:
.L_overlay_start_0:
0x88: {  	s2 =	sld [smem:$0x3FD9]  }
0x89: {  	s3 =	sld [smem:$0x3FFE];
	_ =	sdelay $0x1  }
0x8a: {  	s1 =	srdreg.scid  }
0x8b: {  	s0 =	sand.u32 $0x1, s1  }
0x8c: {  	s17 =	sshll.u32 s0, $0xA;
	s2 =	sadd.s32 s3, s2  }
0x8d: {  	s2 =	sadd.s32 s2, s17  }
0x8e: {  	[smem:$0x3FC6] =	sst s2  }
0x8f: {  	_ = 	snop  }
0x90: {  	s2 =	sld [smem:$0x3FD0];
	(tm) =	ssettm $0x1  }
0x91: {  	s18 =	sld [smem:$0x3FFB];
	_ =	sdelay $0x3  }
0x92: {  	_ =	strace s18  }
0x93: {  	s3 =	sld [smem:$0x3FFC];
	_ =	sdelay $0x3  }
0x94: {  	_ =	strace s3  }
0x95: {  	s3 =	sld [smem:$0x3FFD];
	_ =	sdelay $0x3  }
0x96: {  	_ =	strace s3  }
0x97: {  	_ =	strace $0x8FFFFFFF  }
0x98: {  	s19 =	sld [smem:$0x3FDB];
	_ =	sdelay $0x1  }
0x99: {  	s4 =	simm.s32 $_scs_section_size  }
0x9a: {  	s5 =	simm.s32 $_size__tile_overlayer_lowered;
	s6 =	simm.s32 $_tile_overlayer_lowered  }
0x9b: {  	s22 =	simm.s32 $0x1BFF;
	s21 =	sshll.u32 s6, $0x1;
	s3 =	sadd.s32 s4, s19  }
0x9c: {  	s7 =	simm.s32 $0x0;
	s20 =	sshll.u32 s5, $0x1;
	s5 =	sadd.s32 s21, s3  }
0x9d: {  	[timem:s7], [sflag:s22] =	dma.local [hbm:s5], s20  }
0x9e: {  	_ =	swait.ge [sflag:s22], s20  }
0x9f: {  	s4 =	ssub.s32 $0x0, s20;
	[sflag:s22] =	ssyncset.done $0x0  }
0xa0: {  	[sflag:s22] =	ssyncadd.s32 s4;
	_ =	sdelay $0x1  }
0xa1: {  	s23 =	simm.s32 $0x1B8B  }
0xa2: {  	_ =	swait.ge [sflag:s23], $0x1  }
0xa3: {  	[sflag:s23] =	ssyncset.done $0x0  }
0xa4: {  	s25 =	simm.s32 $0x1B8E;
	s24 =	sld [smem:$0x3FFE];
	[sflag:s23] =	ssyncadd.s32 $0xFFFFFFFF  }
0xa5: {  	s26 =	simm.s32 $execute0_lowered;
	[smem:$0x3FD2] =	sst s25  }
0xa6: {  	s5 =	sshll.u32 s26, $0x1;
	_ =	strace $0x80000046;
	[dreg:$0x1] =	wrdreg $0xFFFFFFFF  }
0xa7: {  	s28 =	simm.s32 $_size_execute0_lowered;
	s3 =	sadd.s32 s3, s5;
	[dreg:$0x0] =	wrdreg $0x0  }
0xa8: {  	s5 =	sshll.u32 s28, $0x1;
	[dreg:$0x2] =	wrdreg s3  }
0xa9: {  	[dreg:$0x3] =	wrdreg s5  }
0xaa: {  	[dreg:$0x4] =	wrdreg $0xC0  }
0xab: {  	_ =	task [dreg:s7], $0x5FFFF  }
0xac: {  	[dreg:$0x1] =	wrdreg $0xFFFFFFFF  }
0xad: {  	[dreg:$0x0] =	wrdreg $0x60  }
0xae: {  	[dreg:$0x2] =	wrdreg s24  }
0xaf: {  	[dreg:$0x3] =	wrdreg s2  }
0xb0: {  	[dreg:$0x4] =	wrdreg $0x9  }
0xb1: {  	_ =	task.clear_ibuf [dreg:s7], $0x5FFFF;
	_ =	strace $0x90000046  }
0xb2: {  	s29 =	simm.s32 $0x9;
	_ =	strace $0x80000048  }
0xb3: {  	_ =	swait.ge [sflag:s29], $0x1  }
0xb4: {  	[sflag:s29] =	ssyncadd.s32 $0xFFFFFFFF  }
0xb5: {  	_ =	strace $0x90000048  }
0xb6: {  	_ =	sfence  }
0xb7: {  	s30 =	sld [smem:$0x0];
	_ =	sdelay $0x2  }
0xb8: {  	s31 =	sshll.u32 s1, $0xD;
	s1 =	sshrl.u32 s1, $0x2  }
0xb9: {  	s3 =	sand.u32 $0x4000, s31;
	s1 =	sadd.s32 s1, s30  }
0xba: {  	s0 =	sor.u32 s3, s0;
	s1 =	sshll.u32 s1, $0x11  }
0xbb: {  	s0 =	sor.u32 s1, s0  }
0xbc: {  	s0 =	sadd.s32 $0x8F2B, s0  }
0xbd: {  	[sflag:s0] =	ssyncadd.remote.s32 $0x1  }
0xbe: {  	_ =	sfence.sel $0xFFFF  }
0xbf: {  	[dreg:$0x0] =	wrdreg $0xFFFFFFFF;
	(pc) =	sbr.abs _section_cstart, $3  }
0xc0: {  	[dreg:$0x1] =	wrdreg $0xFFFFFFFF  }
0xc1: {  	_ =	task.clear_ibuf [dreg:s7], $0x2FFFF;
	_ =	strace $0x9FFFFFFF  }
0xc2: {  	(tm) =	ssettm $0x7FFFFFFF  }
0xc3: {  	_ =	shalt  }
tec
execute0_lowered:
.L_overlay_start_1:
0x0: {  	(tag) =	ssettag $0x1  }
0x1: {  	s0 =	srdreg.scid  }
0x2: {  	s5 =	stileid.u32;
	s3 =	rddreg [dreg:$0x0]  }
0x3: {  	s7 =	rddreg [dreg:$0x1];
	s2 =	simm.s32 $0x0;
	s9 =	simm.s32 $0x80  }
0x4: {  	s10 =	simm.s32 $0x3400;
	s14 =	simm.s32 $0x180;
	s15 =	simm.s32 $0x6400  }
0x5: {  	s16 =	simm.s32 $0x200;
	s17 =	simm.s32 $0x7400;
	s18 =	simm.s32 $0x280  }
0x6: {  	s19 =	simm.s32 $0x8400;
	s20 =	simm.s32 $0x300;
	s21 =	simm.s32 $0x9400  }
0x7: {  	s22 =	simm.s32 $0x380;
	s23 =	simm.s32 $0xA400;
	s24 =	simm.s32 $0x1  }
0x8: {  	s0 =	sand.u32 $0x1, s0;
	s1 =	sshll.u32 s5, $0x1;
	s5 =	smul.u32 $0xD0000, s5  }
0x9: {  	s1 =	sor.u32 s0, s1;
	s6 =	ssub.s32 $0x2, s0;
	s0 =	smul.u32 $0x68000, s0  }
0xa: {  	s25 =	simm.s32 $0x0;
	[smem:$0x7FF] =	sst s2;
	s4 =	smul.u32 $0x680, s1  }
0xb: {  	_ =	strace $0x80000047;
	s1 =	smul.u32 $0x68000, s1;
	s8 =	sshrl.u32 s6, $0x1  }
0xc: {  	s6 =	ssub.s32 s6, s8;
	s0 =	sadd.s32 s0, s5;
	s8 =	simm.s32 $0x2  }
0xd: {  	s4 =	sadd.s32 s4, s3;
	s3 =	sadd.s32 $0xD800, s3;
	s1 =	sshrl.u32 s1, $0x3  }
0xe: {  	s0 =	sshrl.u32 s0, $0x3;
	s6 =	smax.u32 s6, $0x1;
	s1 =	sadd.s32 s7, s1  }
0xf: {  	s4 =	sadd.s32 $0x800, s4;
	s7 =	sadd.s32 s0, s7;
	s5 =	sadd.s32 $0xC000, s1  }
.LBB2_1:
0x10: {  	[tilespmem:s2], [sflag:$0x2] =	stream.linear.gather [hbm4b:s4+s2], $0x3400, $0x38;
	[tilespmem:$0x13400] =	vst v63  }
0x11: {  	_ =	swait.ge [sflag:s8], $0x3400  }
0x12: {  	[sflag:s8] =	ssyncset.done $0x0  }
0x13: {  	[sflag:s8] =	ssyncadd.s32 $0xFFFFCC00  }
0x14: {  	[tilespmem:s10], [sflag:$0x1] =	stream.indirect.gather [hbm4b:s3+s9], $0x20, s2, s9, $0xb8;
	[tilespmem:$0x13400] =	vst v63  }
0x15: {  	s0 =	simm.s32 $0x4400  }
0x16: {  	[tilespmem:s0], [sflag:$0x1] =	stream.indirect.gather [hbm4b:s3+s9], $0x20, s9, s9, $0xb8;
	[tilespmem:$0x13400] =	vst v63  }
0x17: {  	s13 =	simm.s32 $0x100;
	s1 =	simm.s32 $0x5400  }
0x18: {  	[tilespmem:s1], [sflag:$0x1] =	stream.indirect.gather [hbm4b:s3+s9], $0x20, s13, s9, $0xb8;
	[tilespmem:$0x13400] =	vst v63  }
0x19: {  	_ = 	snop  }
0x1a: {  	[tilespmem:s15], [sflag:$0x1] =	stream.indirect.gather [hbm4b:s3+s9], $0x20, s14, s9, $0xb8;
	[tilespmem:$0x13400] =	vst v63  }
0x1b: {  	_ = 	snop  }
0x1c: {  	[tilespmem:s17], [sflag:$0x1] =	stream.indirect.gather [hbm4b:s3+s9], $0x20, s16, s9, $0xb8;
	[tilespmem:$0x13400] =	vst v63  }
0x1d: {  	_ = 	snop  }
0x1e: {  	[tilespmem:s19], [sflag:$0x1] =	stream.indirect.gather [hbm4b:s3+s9], $0x20, s18, s9, $0xb8;
	[tilespmem:$0x13400] =	vst v63  }
0x1f: {  	s26 =	simm.s32 $0x8000  }
0x20: {  	[tilespmem:s21], [sflag:$0x1] =	stream.indirect.gather [hbm4b:s3+s9], $0x20, s20, s9, $0xb8;
	[tilespmem:$0x13400] =	vst v63  }
0x21: {  	s0 =	sand.u32 $0x8000, s26  }
0x22: {  	[tilespmem:s23], [sflag:$0x1] =	stream.indirect.gather [hbm4b:s3+s9], $0x20, s22, s9, $0xb8;
	[tilespmem:$0x13400] =	vst v63  }
0x23: {  	s11 =	simm.s32 $0x400;
	s31 =	sor.u32 $0x3400, s0  }
0x24: {  	[tilespmem:s31], [sflag:$0x1] =	stream.indirect.gather [hbm4b:s3+s9], $0x20, s11, s9, $0xb8;
	[tilespmem:$0x13400] =	vst v63  }
0x25: {  	s12 =	sor.u32 $0x4400, s0;
	s13 =	simm.s32 $0x480  }
0x26: {  	[tilespmem:s12], [sflag:$0x1] =	stream.indirect.gather [hbm4b:s3+s9], $0x20, s13, s9, $0xb8;
	[tilespmem:$0x13400] =	vst v63  }
0x27: {  	s26 =	sor.u32 $0x5400, s0;
	s31 =	simm.s32 $0x500  }
0x28: {  	[tilespmem:s26], [sflag:$0x1] =	stream.indirect.gather [hbm4b:s3+s9], $0x20, s31, s9, $0xb8;
	[tilespmem:$0x13400] =	vst v63  }
0x29: {  	s12 =	sor.u32 $0x6400, s0;
	s13 =	simm.s32 $0x580  }
0x2a: {  	[tilespmem:s12], [sflag:$0x1] =	stream.indirect.gather [hbm4b:s3+s9], $0x20, s13, s9, $0xb8;
	[tilespmem:$0x13400] =	vst v63  }
0x2b: {  	s26 =	sor.u32 $0x7400, s0;
	s31 =	simm.s32 $0x600  }
0x2c: {  	[tilespmem:s26], [sflag:$0x1] =	stream.indirect.gather [hbm4b:s3+s9], $0x20, s31, s9, $0xb8;
	[tilespmem:$0x13400] =	vst v63  }
0x2d: {  	s12 =	sadd.s32 $0x8400, s0;
	s13 =	simm.s32 $0x680  }
0x2e: {  	[tilespmem:s12], [sflag:$0x1] =	stream.indirect.gather [hbm4b:s3+s9], $0x20, s13, s9, $0xb8;
	[tilespmem:$0x13400] =	vst v63  }
0x2f: {  	s26 =	sadd.s32 $0x9400, s0;
	s31 =	simm.s32 $0x700  }
0x30: {  	[tilespmem:s26], [sflag:$0x1] =	stream.indirect.gather [hbm4b:s3+s9], $0x20, s31, s9, $0xb8;
	[tilespmem:$0x13400] =	vst v63  }
0x31: {  	s0 =	sadd.s32 $0xA400, s0;
	s12 =	simm.s32 $0x780  }
0x32: {  	[tilespmem:s0], [sflag:$0x1] =	stream.indirect.gather [hbm4b:s3+s9], $0x20, s12, s9, $0xb8;
	[tilespmem:$0x13400] =	vst v63  }
0x33: {  	_ =	swait.ge [sflag:s24], $0x1000  }
0x34: {  	[sflag:s24] =	ssyncset.done $0x0  }
0x35: {  	[sflag:s24] =	ssyncadd.s32 $0xFFFFF000  }
0x36: {  	_ =	swait.ge [sflag:s24], $0x1000  }
0x37: {  	[sflag:s24] =	ssyncset.done $0x0  }
0x38: {  	[sflag:s24] =	ssyncadd.s32 $0xFFFFF000  }
0x39: {  	_ =	swait.ge [sflag:s24], $0x1000  }
0x3a: {  	[sflag:s24] =	ssyncset.done $0x0  }
0x3b: {  	[sflag:s24] =	ssyncadd.s32 $0xFFFFF000  }
0x3c: {  	_ =	swait.ge [sflag:s24], $0x1000  }
0x3d: {  	[sflag:s24] =	ssyncset.done $0x0  }
0x3e: {  	[sflag:s24] =	ssyncadd.s32 $0xFFFFF000  }
0x3f: {  	_ =	swait.ge [sflag:s24], $0x1000  }
0x40: {  	[sflag:s24] =	ssyncset.done $0x0  }
0x41: {  	[sflag:s24] =	ssyncadd.s32 $0xFFFFF000  }
0x42: {  	_ =	swait.ge [sflag:s24], $0x1000  }
0x43: {  	[sflag:s24] =	ssyncset.done $0x0  }
0x44: {  	[sflag:s24] =	ssyncadd.s32 $0xFFFFF000  }
0x45: {  	_ =	swait.ge [sflag:s24], $0x1000  }
0x46: {  	[sflag:s24] =	ssyncset.done $0x0  }
0x47: {  	[sflag:s24] =	ssyncadd.s32 $0xFFFFF000  }
0x48: {  	s30 =	simm.s32 $0x2000;
	s13 =	sand.u32 $0x20000, s2;
	_ =	swait.ge [sflag:s24], $0x1000  }
0x49: {  	s29 =	simm.s32 $0x10000;
	s0 =	sshrl.u32 s13, $0x2;
	[sflag:s24] =	ssyncset.done $0x0  }
0x4a: {  	s31 =	sadd.s32 $0x0, s7;
	s0 =	sor.u32 $0x3400, s0;
	[sflag:s24] =	ssyncadd.s32 $0xFFFFF000  }
0x4b: {  	[hbm4b:s31+s2] =	stream.linear.scatter [tilespmem:s0], [sflag:$0x2], $0x8000, $0x38;
	[tilespmem:$0x13400] =	vst v63  }
0x4c: {  	s28 =	simm.s32 $0x20000;
	s1 =	sand.u32 $0x8000, s29;
	_ =	swait.ge [sflag:s8], $0x8000  }
0x4d: {  	s26 =	simm.s32 $0x1000;
	s0 =	simm.s32 $0x400;
	[sflag:s8] =	ssyncset.done $0x0  }
.LBB2_2:
0x4e: {  	s11 =	sor.u32 $0x3400, s1;
	s12 =	sadd.s32 $0x400, s0  }
0x4f: {  	[sflag:s8] =	ssyncadd.s32 $0xFFFF8000;
	s31 =	smov.u32 s26;
	s26 =	smov.u32 s30  }
0x50: {  	[tilespmem:s11], [sflag:$0x1] =	stream.indirect.gather [hbm4b:s3+s9], $0x20, s12, s9, $0xb8;
	[tilespmem:$0x13400] =	vst v63  }
0x51: {  	s13 =	sadd.s32 $0x480, s0;
	s11 =	sadd.s32 $0x1000, s30;
	s12 =	sor.u32 $0x4400, s1  }
0x52: {  	[tilespmem:s12], [sflag:$0x1] =	stream.indirect.gather [hbm4b:s3+s9], $0x20, s13, s9, $0xb8;
	[tilespmem:$0x13400] =	vst v63  }
0x53: {  	p0 =	sne.s32 s30, $0xB000;
	s12 =	sor.u32 $0x5400, s1;
	s13 =	sadd.s32 $0x500, s0  }
0x54: {  	[tilespmem:s12], [sflag:$0x1] =	stream.indirect.gather [hbm4b:s3+s9], $0x20, s13, s9, $0xb8;
	[tilespmem:$0x13400] =	vst v63  }
0x55: {  	s12 =	sor.u32 $0x6400, s1;
	s13 =	sadd.s32 $0x580, s0  }
0x56: {  	[tilespmem:s12], [sflag:$0x1] =	stream.indirect.gather [hbm4b:s3+s9], $0x20, s13, s9, $0xb8;
	[tilespmem:$0x13400] =	vst v63  }
0x57: {  	s12 =	sor.u32 $0x7400, s1;
	s13 =	sadd.s32 $0x600, s0  }
0x58: {  	[tilespmem:s12], [sflag:$0x1] =	stream.indirect.gather [hbm4b:s3+s9], $0x20, s13, s9, $0xb8;
	[tilespmem:$0x13400] =	vst v63  }
0x59: {  	s12 =	sadd.s32 $0x8400, s1;
	s13 =	sadd.s32 $0x680, s0  }
0x5a: {  	[tilespmem:s12], [sflag:$0x1] =	stream.indirect.gather [hbm4b:s3+s9], $0x20, s13, s9, $0xb8;
	[tilespmem:$0x13400] =	vst v63  }
0x5b: {  	s12 =	sadd.s32 $0x9400, s1;
	s13 =	sadd.s32 $0x700, s0  }
0x5c: {  	[tilespmem:s12], [sflag:$0x1] =	stream.indirect.gather [hbm4b:s3+s9], $0x20, s13, s9, $0xb8;
	[tilespmem:$0x13400] =	vst v63  }
0x5d: {  	s1 =	sadd.s32 $0xA400, s1;
	s0 =	sadd.s32 $0x780, s0  }
0x5e: {  	[tilespmem:s1], [sflag:$0x1] =	stream.indirect.gather [hbm4b:s3+s9], $0x20, s0, s9, $0xb8;
	[tilespmem:$0x13400] =	vst v63  }
0x5f: {  	_ =	swait.ge [sflag:s24], $0x1000  }
0x60: {  	[sflag:s24] =	ssyncset.done $0x0  }
0x61: {  	[sflag:s24] =	ssyncadd.s32 $0xFFFFF000  }
0x62: {  	_ =	swait.ge [sflag:s24], $0x1000  }
0x63: {  	[sflag:s24] =	ssyncset.done $0x0  }
0x64: {  	[sflag:s24] =	ssyncadd.s32 $0xFFFFF000  }
0x65: {  	_ =	swait.ge [sflag:s24], $0x1000  }
0x66: {  	[sflag:s24] =	ssyncset.done $0x0  }
0x67: {  	[sflag:s24] =	ssyncadd.s32 $0xFFFFF000  }
0x68: {  	_ =	swait.ge [sflag:s24], $0x1000  }
0x69: {  	[sflag:s24] =	ssyncset.done $0x0  }
0x6a: {  	[sflag:s24] =	ssyncadd.s32 $0xFFFFF000  }
0x6b: {  	_ =	swait.ge [sflag:s24], $0x1000  }
0x6c: {  	[sflag:s24] =	ssyncset.done $0x0  }
0x6d: {  	[sflag:s24] =	ssyncadd.s32 $0xFFFFF000  }
0x6e: {  	_ =	swait.ge [sflag:s24], $0x1000  }
0x6f: {  	[sflag:s24] =	ssyncset.done $0x0  }
0x70: {  	[sflag:s24] =	ssyncadd.s32 $0xFFFFF000  }
0x71: {  	_ =	swait.ge [sflag:s24], $0x1000  }
0x72: {  	[sflag:s24] =	ssyncset.done $0x0  }
0x73: {  	[sflag:s24] =	ssyncadd.s32 $0xFFFFF000  }
0x74: {  	s29 =	sadd.s32 $0x8000, s29;
	s0 =	sand.u32 $0x20000, s28;
	_ =	swait.ge [sflag:s24], $0x1000  }
.Ltmp0:
0x75: {  	s0 =	sshrl.u32 s0, $0x2;
	[sflag:s24] =	ssyncset.done $0x0;
	(pc) =	sbr.rel @p0 .LBB2_2-.Ltmp0, $4  }
0x76: {  	s1 =	sadd.s32 s31, s7;
	s0 =	sor.u32 $0x3400, s0;
	[sflag:s24] =	ssyncadd.s32 $0xFFFFF000  }
0x77: {  	[hbm4b:s1+s2] =	stream.linear.scatter [tilespmem:s0], [sflag:$0x2], $0x8000, $0x38;
	[tilespmem:$0x13400] =	vst v63  }
0x78: {  	s30 =	smov.u32 s11;
	s28 =	sadd.s32 $0x20000, s28;
	_ =	swait.ge [sflag:s8], $0x8000  }
0x79: {  	s1 =	sand.u32 $0x8000, s29;
	s0 =	sshra.s32 s26, $0x2;
	[sflag:s8] =	ssyncset.done $0x0  }
0x7a: {  	s11 =	sor.u32 $0x3400, s1;
	s12 =	sadd.s32 $0x400, s0;
	[sflag:s8] =	ssyncadd.s32 $0xFFFF8000  }
0x7b: {  	[tilespmem:s11], [sflag:$0x1] =	stream.indirect.gather [hbm4b:s3+s9], $0x20, s12, s9, $0xb8;
	[tilespmem:$0x13400] =	vst v63  }
0x7c: {  	s13 =	sor.u32 $0x4400, s1;
	s29 =	sadd.s32 $0x480, s0  }
0x7d: {  	[tilespmem:s13], [sflag:$0x1] =	stream.indirect.gather [hbm4b:s3+s9], $0x20, s29, s9, $0xb8;
	[tilespmem:$0x13400] =	vst v63  }
0x7e: {  	s30 =	sor.u32 $0x5400, s1;
	s31 =	sadd.s32 $0x500, s0  }
0x7f: {  	[tilespmem:s30], [sflag:$0x1] =	stream.indirect.gather [hbm4b:s3+s9], $0x20, s31, s9, $0xb8;
	[tilespmem:$0x13400] =	vst v63  }
0x80: {  	s13 =	sor.u32 $0x6400, s1;
	s29 =	sadd.s32 $0x580, s0  }
0x81: {  	[tilespmem:s13], [sflag:$0x1] =	stream.indirect.gather [hbm4b:s3+s9], $0x20, s29, s9, $0xb8;
	[tilespmem:$0x13400] =	vst v63  }
0x82: {  	s30 =	sor.u32 $0x7400, s1;
	s31 =	sadd.s32 $0x600, s0  }
0x83: {  	[tilespmem:s30], [sflag:$0x1] =	stream.indirect.gather [hbm4b:s3+s9], $0x20, s31, s9, $0xb8;
	[tilespmem:$0x13400] =	vst v63  }
0x84: {  	s13 =	sadd.s32 $0x8400, s1;
	s29 =	sadd.s32 $0x680, s0  }
0x85: {  	[tilespmem:s13], [sflag:$0x1] =	stream.indirect.gather [hbm4b:s3+s9], $0x20, s29, s9, $0xb8;
	[tilespmem:$0x13400] =	vst v63  }
0x86: {  	s30 =	sadd.s32 $0x9400, s1;
	s31 =	sadd.s32 $0x700, s0  }
0x87: {  	[tilespmem:s30], [sflag:$0x1] =	stream.indirect.gather [hbm4b:s3+s9], $0x20, s31, s9, $0xb8;
	[tilespmem:$0x13400] =	vst v63  }
0x88: {  	s13 =	sadd.s32 $0xA400, s1;
	s29 =	sadd.s32 $0x780, s0  }
0x89: {  	[tilespmem:s13], [sflag:$0x1] =	stream.indirect.gather [hbm4b:s3+s9], $0x20, s29, s9, $0xb8;
	[tilespmem:$0x13400] =	vst v63  }
0x8a: {  	_ =	swait.ge [sflag:s24], $0x1000  }
0x8b: {  	[sflag:s24] =	ssyncset.done $0x0  }
0x8c: {  	[sflag:s24] =	ssyncadd.s32 $0xFFFFF000  }
0x8d: {  	_ =	swait.ge [sflag:s24], $0x1000  }
0x8e: {  	[sflag:s24] =	ssyncset.done $0x0  }
0x8f: {  	[sflag:s24] =	ssyncadd.s32 $0xFFFFF000  }
0x90: {  	_ =	swait.ge [sflag:s24], $0x1000  }
0x91: {  	[sflag:s24] =	ssyncset.done $0x0  }
0x92: {  	[sflag:s24] =	ssyncadd.s32 $0xFFFFF000  }
0x93: {  	_ =	swait.ge [sflag:s24], $0x1000  }
0x94: {  	[sflag:s24] =	ssyncset.done $0x0  }
0x95: {  	[sflag:s24] =	ssyncadd.s32 $0xFFFFF000  }
0x96: {  	_ =	swait.ge [sflag:s24], $0x1000  }
0x97: {  	[sflag:s24] =	ssyncset.done $0x0  }
0x98: {  	[sflag:s24] =	ssyncadd.s32 $0xFFFFF000  }
0x99: {  	_ =	swait.ge [sflag:s24], $0x1000  }
0x9a: {  	[sflag:s24] =	ssyncset.done $0x0  }
0x9b: {  	[sflag:s24] =	ssyncadd.s32 $0xFFFFF000  }
0x9c: {  	_ =	swait.ge [sflag:s24], $0x1000  }
0x9d: {  	[sflag:s24] =	ssyncset.done $0x0  }
0x9e: {  	[sflag:s24] =	ssyncadd.s32 $0xFFFFF000  }
0x9f: {  	s30 =	sand.u32 $0x20000, s28;
	_ =	swait.ge [sflag:s24], $0x1000  }
0xa0: {  	s0 =	sshrl.u32 s30, $0x2;
	[sflag:s24] =	ssyncset.done $0x0  }
0xa1: {  	s31 =	sadd.s32 s26, s7;
	s0 =	sor.u32 $0x3400, s0;
	[sflag:s24] =	ssyncadd.s32 $0xFFFFF000  }
0xa2: {  	[hbm4b:s31+s2] =	stream.linear.scatter [tilespmem:s0], [sflag:$0x2], $0x8000, $0x38;
	[tilespmem:$0x13400] =	vst v63  }
0xa3: {  	_ =	swait.ge [sflag:s8], $0x8000  }
0xa4: {  	[sflag:s8] =	ssyncset.done $0x0  }
0xa5: {  	[sflag:s8] =	ssyncadd.s32 $0xFFFF8000  }
0xa6: {  	_ =	swait.ge [sflag:s24], $0x1000  }
0xa7: {  	[sflag:s24] =	ssyncset.done $0x0  }
0xa8: {  	[sflag:s24] =	ssyncadd.s32 $0xFFFFF000  }
0xa9: {  	_ =	swait.ge [sflag:s24], $0x1000  }
0xaa: {  	[sflag:s24] =	ssyncset.done $0x0  }
0xab: {  	[sflag:s24] =	ssyncadd.s32 $0xFFFFF000  }
0xac: {  	_ =	swait.ge [sflag:s24], $0x1000  }
0xad: {  	[sflag:s24] =	ssyncset.done $0x0  }
0xae: {  	[sflag:s24] =	ssyncadd.s32 $0xFFFFF000  }
0xaf: {  	_ =	swait.ge [sflag:s24], $0x1000  }
0xb0: {  	[sflag:s24] =	ssyncset.done $0x0  }
0xb1: {  	[sflag:s24] =	ssyncadd.s32 $0xFFFFF000  }
0xb2: {  	_ =	swait.ge [sflag:s24], $0x1000  }
0xb3: {  	[sflag:s24] =	ssyncset.done $0x0  }
0xb4: {  	[sflag:s24] =	ssyncadd.s32 $0xFFFFF000  }
0xb5: {  	_ =	swait.ge [sflag:s24], $0x1000  }
0xb6: {  	[sflag:s24] =	ssyncset.done $0x0  }
0xb7: {  	[sflag:s24] =	ssyncadd.s32 $0xFFFFF000  }
0xb8: {  	_ =	swait.ge [sflag:s24], $0x1000  }
0xb9: {  	[sflag:s24] =	ssyncset.done $0x0  }
0xba: {  	[sflag:s24] =	ssyncadd.s32 $0xFFFFF000  }
0xbb: {  	s25 =	sadd.s32 $0x1, s25;
	_ =	swait.ge [sflag:s24], $0x1000  }
0xbc: {  	p0 =	sne.s32 s25, s6;
	[sflag:s24] =	ssyncset.done $0x0  }
.Ltmp1:
0xbd: {  	[sflag:s24] =	ssyncadd.s32 $0xFFFFF000;
	(pc) =	sbr.rel @p0 .LBB2_1-.Ltmp1, $4  }
0xbe: {  	[hbm4b:s5+s2] =	stream.linear.scatter [tilespmem:s10], [sflag:$0x2], $0x8000, $0x38;
	[tilespmem:$0x13400] =	vst v63  }
0xbf: {  	_ =	swait.ge [sflag:s8], $0x8000  }
0xc0: {  	[sflag:s8] =	ssyncset.done $0x0  }
0xc1: {  	[sflag:s8] =	ssyncadd.s32 $0xFFFF8000  }
0xc2: {  	_ =	sfence.sel $0x180000  }
0xc3: {  	[bflag:$0x0] =	sbarrier.arrive $0xFFFF  }
0xc4: {  	_ =	strace $0x90000047  }
0xc5: {  	s0 =	stileid.u32;
	[bflag:$0x2] =	sbarrier.arrive $0xFFFF  }
0xc6: {  	p0 =	sne.s32 s0, $0x0;
	s0 =	rddreg [dreg:$0x2]  }
0xc7: {  	s0 =	sadd.s32 @!p0 $0x100000, s0  }
0xc8: {  	[sflag:s0] =	ssyncadd.tile.s32 @!p0 $0x1;
	_ =	shalt  }
.Lfunc_end2:
_tile_overlayer_lowered:
.L_overlay_start_2:
0xc9: {  	(tag) =	ssettag $0x2  }
0xca: {  	s0 =	rddreg [dreg:$0x0];
	s2 =	stileid.u32  }
0xcb: {  	s1 =	rddreg [dreg:$0x1];
	p0 =	sne.s32 s2, $0x0  }
0xcc: {  	s3 =	rddreg [dreg:$0x2];
	[bflag:$0x3] =	sbarrier.arrive $0xFFFF;
	s2 =	simm.s32 @!p0 $0x1C02  }
0xcd: {  	[timem:s3], [sflag:s2] =	dma.local @!p0 [hbm:s0], s1  }
0xce: {  	s0 =	simm.s32 @!p0 $0x2  }
0xcf: {  	_ =	swait.ge @!p0 [sflag:s0], s1  }
0xd0: {  	s1 =	ssub.s32 @!p0 $0x0, s1;
	[sflag:s0] =	ssyncset.done @!p0 $0x0  }
0xd1: {  	[sflag:s0] =	ssyncadd.s32 @!p0 s1  }
0xd2: {  	[bflag:$0x3] =	sbarrier.arrive $0xFFFF  }
0xd3: {  	_ =	shalt  }

// kernel: sparse-core-data-format-call.cloned.1.call-start
scs
called_computation_lowered:
.L_overlay_start_0:
0x0: {  	s2 =	sld [smem:$0x3FD9]  }
0x1: {  	s3 =	sld [smem:$0x3FFE];
	_ =	sdelay $0x1  }
0x2: {  	s1 =	srdreg.scid  }
0x3: {  	s0 =	sand.u32 $0x1, s1  }
0x4: {  	s18 =	sshll.u32 s0, $0xA;
	s2 =	sadd.s32 s3, s2  }
0x5: {  	s2 =	sadd.s32 s2, s18  }
0x6: {  	[smem:$0x3FC6] =	sst s2  }
0x7: {  	_ = 	snop  }
0x8: {  	s2 =	sld [smem:$0x3FD0];
	(tm) =	ssettm $0x1  }
0x9: {  	s19 =	sld [smem:$0x3FFB];
	_ =	sdelay $0x3  }
0xa: {  	_ =	strace s19  }
0xb: {  	s3 =	sld [smem:$0x3FFC];
	_ =	sdelay $0x3  }
0xc: {  	_ =	strace s3  }
0xd: {  	s3 =	sld [smem:$0x3FFD];
	_ =	sdelay $0x3  }
0xe: {  	_ =	strace s3  }
0xf: {  	_ =	strace $0x8FFFFFFF  }
0x10: {  	s20 =	sld [smem:$0x3FDB];
	_ =	sdelay $0x1  }
0x11: {  	s4 =	simm.s32 $_scs_section_size  }
0x12: {  	s5 =	simm.s32 $_size__tile_overlayer_lowered;
	s6 =	simm.s32 $_tile_overlayer_lowered  }
0x13: {  	s23 =	simm.s32 $0x1BFF;
	s22 =	sshll.u32 s6, $0x1;
	s3 =	sadd.s32 s4, s20  }
0x14: {  	s7 =	simm.s32 $0x0;
	s21 =	sshll.u32 s5, $0x1;
	s5 =	sadd.s32 s22, s3  }
0x15: {  	[timem:s7], [sflag:s23] =	dma.local [hbm:s5], s21  }
0x16: {  	_ =	swait.ge [sflag:s23], s21  }
0x17: {  	s4 =	ssub.s32 $0x0, s21;
	[sflag:s23] =	ssyncset.done $0x0  }
0x18: {  	[sflag:s23] =	ssyncadd.s32 s4;
	_ =	sdelay $0x1  }
0x19: {  	s24 =	simm.s32 $0x1B8B  }
0x1a: {  	_ =	swait.ge [sflag:s24], $0x1  }
0x1b: {  	[sflag:s24] =	ssyncset.done $0x0  }
0x1c: {  	s26 =	simm.s32 $0x1B8E;
	s25 =	sld [smem:$0x3FFE];
	[sflag:s24] =	ssyncadd.s32 $0xFFFFFFFF  }
0x1d: {  	s27 =	simm.s32 $execute0_lowered;
	[smem:$0x3FD2] =	sst s26  }
0x1e: {  	s5 =	sshll.u32 s27, $0x1;
	_ =	strace $0x80000049;
	[dreg:$0x1] =	wrdreg $0xFFFFFFFF  }
0x1f: {  	s28 =	simm.s32 $_size_execute0_lowered;
	s3 =	sadd.s32 s3, s5;
	[dreg:$0x0] =	wrdreg $0x0  }
0x20: {  	s5 =	sshll.u32 s28, $0x1;
	[dreg:$0x2] =	wrdreg s3  }
0x21: {  	[dreg:$0x3] =	wrdreg s5  }
0x22: {  	[dreg:$0x4] =	wrdreg $0xC0  }
0x23: {  	_ =	task [dreg:s7], $0x5FFFF  }
0x24: {  	[dreg:$0x1] =	wrdreg $0xFFFFFFFF  }
0x25: {  	[dreg:$0x0] =	wrdreg $0x60  }
0x26: {  	[dreg:$0x2] =	wrdreg s25  }
0x27: {  	[dreg:$0x3] =	wrdreg s2  }
0x28: {  	[dreg:$0x4] =	wrdreg $0x9  }
0x29: {  	_ =	task.clear_ibuf [dreg:s7], $0x5FFFF;
	_ =	strace $0x90000049  }
0x2a: {  	s29 =	simm.s32 $0x9;
	_ =	strace $0x8000004B  }
0x2b: {  	_ =	swait.ge [sflag:s29], $0x1  }
0x2c: {  	[sflag:s29] =	ssyncadd.s32 $0xFFFFFFFF  }
0x2d: {  	_ =	strace $0x9000004B  }
0x2e: {  	_ =	sfence  }
0x2f: {  	s30 =	sld [smem:$0x0];
	_ =	sdelay $0x2  }
0x30: {  	s31 =	sshll.u32 s1, $0xD;
	s1 =	sshrl.u32 s1, $0x2  }
0x31: {  	s3 =	sand.u32 $0x4000, s31;
	s1 =	sadd.s32 s1, s30  }
0x32: {  	s0 =	sor.u32 s3, s0;
	s1 =	sshll.u32 s1, $0x11  }
0x33: {  	s0 =	sor.u32 s1, s0  }
0x34: {  	s0 =	sadd.s32 $0x8F2B, s0  }
0x35: {  	[sflag:s0] =	ssyncadd.remote.s32 $0x1  }
0x36: {  	_ =	sfence.sel $0xFFFF  }
0x37: {  	[dreg:$0x0] =	wrdreg $0xFFFFFFFF;
	(pc) =	sbr.abs _section_cstart, $3  }
0x38: {  	[dreg:$0x1] =	wrdreg $0xFFFFFFFF  }
0x39: {  	_ =	task.clear_ibuf [dreg:s7], $0x2FFFF;
	_ =	strace $0x9FFFFFFF  }
0x3a: {  	(tm) =	ssettm $0x7FFFFFFF  }
0x3b: {  	_ =	shalt  }
tec
execute0_lowered:
.L_overlay_start_1:
0x0: {  	(tag) =	ssettag $0x1  }
0x1: {  	s0 =	srdreg.scid  }
0x2: {  	s1 =	sshll.u32 s0, $0x4  }
0x3: {  	s0 =	stileid.u32;
	s1 =	sand.u32 $0x10, s1  }
0x4: {  	s7 =	rddreg [dreg:$0x0];
	s1 =	sor.u32 s0, s1  }
0x5: {  	s4 =	simm.s32 $0x1;
	s8 =	simm.s32 $0x2;
	s2 =	sshll.u32 s1, $0x7  }
0x6: {  	s13 =	simm.s32 $0x0;
	s9 =	simm.s32 $0x20000;
	s1 =	ssub.s32 $0x4000, s2  }
0x7: {  	s14 =	simm.s32 $0x0;
	s11 =	simm.s32 $0x0;
	s3 =	sand.u32 $0xF80, s1  }
0x8: {  	s12 =	simm.s32 $0x0;
	s5 =	sshrl.u32 s1, $0xC;
	p0 =	sne.s32 s3, $0x0  }
.Ltmp0:
0x9: {  	s1 =	rddreg [dreg:$0x2];
	s4 =	simm.s32 @!p0 $0x0;
	(pc) =	sbr.rel .LBB1_1-.Ltmp0, $4  }
0xa: {  	s6 =	sadd.s32 $0x800, s7;
	s3 =	rddreg [dreg:$0x1];
	s5 =	sadd.s32 s4, s5  }
0xb: {  	_ =	strace $0x8000004A;
	s4 =	simm.s32 $0x1;
	s5 =	smul.u32 $0xD, s5  }
0xc: {  	s7 =	sadd.s32 $0x40800, s7;
	s10 =	smov.u32 s2;
	[sflag:s4] =	ssyncpa.u1 $0x0  }
0xd: {  	p0 =	por $0x0, $0x0;
	[sflag:s8] =	ssyncpa.u1 $0x0;
	s8 =	sadd.s32 $0x1, s5  }
.LBB1_7:
0xe: {  	s15 =	sadd.s32 $0x1000, s10  }
0xf: {  	s13 =	sadd.s32 $0x2, s11;
	s17 =	smov.u32 s11;
	p2 =	sgt.s32 s15, $0x3FFF  }
0x10: {  	s17 =	smov.u32 @p2 s13  }
0x11: {  	s15 =	smov.u32 @p2 s2;
	p2 =	sgt.s32 s17, $0x19  }
0x12: {  	s17 =	simm.s32 @p2 $0x0;
	p2 =	sne.s32 s12, s8  }
.Ltmp1:
0x13: {  	p1 =	slt.u32 s12, $0x2;
	(pc) =	sbr.rel @!p2 .LBB1_8-.Ltmp1, $4  }
0x14: {  	s16 =	simm.s32 @!p1 $0x2  }
0x15: {  	s14 =	smov.u32 s11;
	p0 =	por !p0, !p0;
	_ =	swait.ge @!p1 [sflag:s16], $0x2000  }
0x16: {  	s13 =	smov.u32 s10;
	[sflag:s16] =	ssyncset.done @!p1 $0x0;
	s10 =	smov.u32 s15  }
0x17: {  	s12 =	sadd.s32 $0x1, s12;
	[sflag:s16] =	ssyncadd.s32 @!p1 $0xFFFFE000;
	s11 =	smov.u32 s17  }
.LBB1_1:
0x18: {  	p1 =	sge.u32 s12, s5  }
0x19: {  	s15 =	sxor.u32 @!p1 $0xFFFFFFFF, s12;
	s16 =	sshll.u32 @!p1 s11, $0x12  }
0x1a: {  	s17 =	sshll.u32 @!p1 s10, $0x4;
	s19 =	simm.s32 @!p1 $0x20;
	s20 =	simm.s32 @!p1 $0x80  }
0x1b: {  	s15 =	sshll.u32 @!p1 s15, $0xD;
	s17 =	sand.u32 @!p1 $0x3FFF0, s17;
	s18 =	sadd.s32 @!p1 s6, s16  }
0x1c: {  	s16 =	sadd.s32 @!p1 s16, s7;
	s15 =	sand.u32 @!p1 $0x2000, s15;
	s18 =	sadd.s32 @!p1 s17, s18  }
0x1d: {  	[tilespmem:s15], [sflag:$0x1] =	stream.strided.gather @!p1 [hbm4b:s18+s19], $0x1000, s20, s19, $0x38;
	[tilespmem:$0x8080] =	vst v63  }
0x1e: {  	s31 =	sadd.s32 $0xFFFFFFFF, s12;
	s16 =	sadd.s32 @!p1 s17, s16;
	s15 =	sor.u32 @!p1 $0x1000, s15  }
0x1f: {  	[tilespmem:s15], [sflag:$0x1] =	stream.strided.gather @!p1 [hbm4b:s16+s19], $0x1000, s20, s19, $0x38;
	[tilespmem:$0x8080] =	vst v63  }
0x20: {  	p1 =	sge.u32 s31, s5  }
.Ltmp2:
0x21: {  	_ = 	snop;
	(pc) =	sbr.rel @p1 .LBB1_7-.Ltmp2, $1  }
0x22: {  	_ =	sdelay $0x3  }
0x23: {  	s15 =	simm.s32 $0x1;
	s17 =	sand.u32 $0x1, s12  }
0x24: {  	_ =	swait.ge [sflag:s4], $0x2000;
	s15 =	simm.s32 @!p0 $0x0;
	s17 =	smul.u32 $0x8100, s17  }
0x25: {  	p2 =	por $0x1, $0x1;
	[sflag:s4] =	ssyncset.done $0x0;
	s16 =	smul.u32 $0x8100, s15  }
0x26: {  	s18 =	sshll.u32 s15, $0xF;
	[sflag:s4] =	ssyncadd.s32 $0xFFFFE000;
	s30 =	sshrl.u32 s17, $0x2  }
0x27: {  	s31 =	sshrl.u32 s18, $0x2;
	s18 =	simm.s32 $0x0;
	s16 =	sshrl.u32 s16, $0x2  }
0x28: {  	s15 =	sor.u32 $0x4000, s30;
	s17 =	sadd.s32 $0x10, s31;
	s16 =	sor.u32 $0x4000, s16  }
.LBB1_3:
0x29: {  	s19 =	sshll.u32 s18, $0xC  }
0x2a: {  	s19 =	sand.u32 $0x3FFFF000, s19  }
0x2b: {  	s20 =	sadd.s32 s19, s17  }
0x2c: {  	s31 =	smul.u32 $0x4080, s18;
	v1 =	vld [tilespmem:s20+$0x0]  }
0x2d: {  	v0 =	vld [tilespmem:s20+$0xFFFFFFF0]  }
0x2e: {  	s18 =	sshra.s32 s31, $0x2  }
0x2f: {  	s18 =	sadd.s32 s18, s16  }
0x30: {  	s21 =	sadd.s32 $0x0, s18  }
0x31: {  	p1 =	por p2, p2;
	s19 =	simm.s32 $0x4;
	s20 =	sadd.s32 $0x20, s20;
	[tilespmem:s21+$0x810 ss:$0x81] =	vst.msk $0xffff, v1  }
.LBB1_4:
0x32: {  	v1 =	vld [tilespmem:s20+$0x0];
	p2 =	sne.s32 s19, $0x1FC;
	[tilespmem:s21+$0x0 ss:$0x81] =	vst.msk $0xffff, v0;
	s21 =	smov.u32 s19;
	s19 =	sadd.s32 $0x4, s19  }
.Ltmp3:
0x33: {  	v0 =	vld [tilespmem:s20+$0xFFFFFFF0];
	(pc) =	sbr.rel @p2 .LBB1_4-.Ltmp3, $4  }
0x34: {  	_ = 	snop  }
0x35: {  	s21 =	sshra.s32 s21, $0x2  }
0x36: {  	s21 =	sadd.s32 s21, s18  }
0x37: {  	s20 =	sadd.s32 $0x20, s20;
	[tilespmem:s21+$0x810 ss:$0x81] =	vst.msk $0xffff, v1  }
.Ltmp4:
0x38: {  	(pc) =	sbr.rel @p1 .LBB1_3-.Ltmp4, $2  }
0x39: {  	_ =	sdelay $0x2  }
0x3a: {  	[tilespmem:s21+$0x0 ss:$0x81] =	vst.msk $0xffff, v0;
	s18 =	simm.s32 $0x1;
	p2 =	por $0x0, $0x0  }
0x3b: {  	s16 =	sshll.u32 s13, $0x3;
	s17 =	sand.u32 $0x78, s13;
	s14 =	sshll.u32 s14, $0x10  }
.Ltmp5:
0x3c: {  	s30 =	sand.u32 $0xF800, s13;
	s16 =	sand.u32 $0x3C00, s16;
	(pc) =	sbr.rel .LBB1_7-.Ltmp5, $4  }
0x3d: {  	s31 =	sand.u32 $0x7, s13;
	s14 =	sadd.s32 s3, s14;
	s16 =	sor.u32 s17, s16  }
0x3e: {  	s13 =	sshll.u32 s31, $0x12;
	s14 =	sadd.s32 s30, s14;
	s16 =	sshrl.u32 s16, $0x3  }
0x3f: {  	s13 =	sor.u32 $0x400, s13;
	s14 =	sadd.s32 s16, s14  }
0x40: {  	[hbm4b:s14+s13] =	stream.strided.scatter [tilespmem:s15], [sflag:$0x2], $0x2000, s9, s13, $0x20;
	[tilespmem:$0x8080] =	vst v63  }
.LBB1_8:
0x41: {  	_ =	sfence.sel $0x180000  }
0x42: {  	s2 =	simm.s32 $0x1;
	[bflag:$0x0] =	sbarrier.arrive $0xFFFF  }
0x43: {  	s31 =	simm.s32 $0x2;
	[sflag:s2] =	ssyncpa.u1 $0x1  }
0x44: {  	[sflag:s31] =	ssyncpa.u1 $0x1  }
0x45: {  	p0 =	sne.s32 s0, $0x0;
	_ =	strace $0x9000004A  }
0x46: {  	s0 =	sadd.s32 @!p0 $0x100000, s1;
	[bflag:$0x2] =	sbarrier.arrive $0xFFFF  }
0x47: {  	[sflag:s0] =	ssyncadd.tile.s32 @!p0 $0x1;
	_ =	shalt  }
.Lfunc_end1:
_tile_overlayer_lowered:
.L_overlay_start_2:
0x48: {  	(tag) =	ssettag $0x2  }
0x49: {  	s0 =	rddreg [dreg:$0x0];
	s2 =	stileid.u32  }
0x4a: {  	s1 =	rddreg [dreg:$0x1];
	p0 =	sne.s32 s2, $0x0  }
0x4b: {  	s3 =	rddreg [dreg:$0x2];
	[bflag:$0x3] =	sbarrier.arrive $0xFFFF;
	s2 =	simm.s32 @!p0 $0x1C01  }
0x4c: {  	[timem:s3], [sflag:s2] =	dma.local @!p0 [hbm:s0], s1  }
0x4d: {  	s0 =	simm.s32 @!p0 $0x1  }
0x4e: {  	_ =	swait.ge @!p0 [sflag:s0], s1  }
0x4f: {  	s1 =	ssub.s32 @!p0 $0x0, s1;
	[sflag:s0] =	ssyncset.done @!p0 $0x0  }
0x50: {  	[sflag:s0] =	ssyncadd.s32 @!p0 s1  }
0x51: {  	[bflag:$0x3] =	sbarrier.arrive $0xFFFF  }
0x52: {  	_ =	shalt  }

</sc_bundles>
